<compile_context>
chip_gen: v7x
topology: tpu7x:2x2x1
jax: 0.10.2.dev20260603
libtpu: 0.0.44.dev20260713+nightly
codegen_flags: <defaults>
</compile_context>

<pallas_src>
import functools

import jax
import jax.numpy as jnp
from jax import lax
from jax.experimental import pallas as pl
from jax.experimental.pallas import tpu as pltpu
from jax.experimental.pallas import tpu_sc as plsc

NUM_EMB = 1000000
DIM = 32
N_LOOKUPS = 327680

_INFO = plsc.get_sparse_core_info()
NC = _INFO.num_cores
NS = _INFO.num_subcores
NW = NC * NS
LANES = _INFO.num_lanes

B_PER_W = N_LOOKUPS // NW
CHUNK = 2048
N_CHUNKS = B_PER_W // CHUNK


def _sc_lookup(idx0_hbm, idx1_hbm, t0_hbm, t1_hbm,
               out0_hbm, out1_hbm, parts_hbm,
               idx_v, rows_v, acc_v, sem):
    wid = lax.axis_index("s") * NC + lax.axis_index("c")
    base = wid * B_PER_W

    def do_table(idx_hbm, t_hbm, out_hbm, carry):
        def chunk_body(i, carry):
            off = base + i * CHUNK
            pltpu.sync_copy(idx_hbm.at[pl.ds(off, CHUNK)], idx_v)
            pltpu.async_copy(t_hbm.at[idx_v], rows_v, sem).wait()
            pltpu.sync_copy(rows_v, out_hbm.at[pl.ds(off, CHUNK)])

            def sum_body(j, c):
                a, b = c
                return (a + rows_v[j, pl.ds(0, LANES)],
                        b + rows_v[j, pl.ds(LANES, LANES)])

            return lax.fori_loop(0, CHUNK, sum_body, carry, unroll=8)

        return lax.fori_loop(0, N_CHUNKS, chunk_body, carry)

    zeros = jnp.zeros((LANES,), jnp.float32)
    carry = (zeros, zeros)
    carry = do_table(idx0_hbm, t0_hbm, out0_hbm, carry)
    carry = do_table(idx1_hbm, t1_hbm, out1_hbm, carry)
    acc_v[...] = carry[0] + carry[1]
    pltpu.sync_copy(acc_v, parts_hbm.at[wid])


@jax.jit
def kernel(indices_0, indices_1, table_0, table_1):
    mesh = plsc.VectorSubcoreMesh(core_axis_name="c", subcore_axis_name="s")
    call = functools.partial(
        pl.kernel,
        mesh=mesh,
        compiler_params=pltpu.CompilerParams(use_tc_tiling_on_sc=False),
        out_type=(
            jax.ShapeDtypeStruct((N_LOOKUPS, DIM), jnp.float32),
            jax.ShapeDtypeStruct((N_LOOKUPS, DIM), jnp.float32),
            jax.ShapeDtypeStruct((NW, LANES), jnp.float32),
        ),
        scratch_types=[
            pltpu.VMEM((CHUNK,), jnp.int32),
            pltpu.VMEM((CHUNK, DIM), jnp.float32),
            pltpu.VMEM((LANES,), jnp.float32),
            pltpu.SemaphoreType.DMA,
        ],
    )(_sc_lookup)
    t0 = table_0.reshape(-1).reshape(NUM_EMB, DIM)
    t1 = table_1.reshape(-1).reshape(NUM_EMB, DIM)
    emb_0, emb_1, parts = call(indices_0, indices_1, t0, t1)
    loss = jnp.sum(parts) / jnp.float32(2 * N_LOOKUPS * DIM)
    return (loss, emb_0, emb_1)

# --- scband reference (transcript-rebuilt; emitter-appended) ---
"""Pipeline reference for scband-pecsparse-arch-31997506355928 (READ-ONLY COPY).

The authoritative reference and input builder live on the scoring server;
editing this copy changes nothing except your own understanding.
"""

import jax, jax.numpy as jnp
import numpy as np

NUM_EMB = 1000000
DIM = 32
N_LOOKUPS = 327680  # batch 16384 * hist_len 20


def setup_inputs(seed: int = 0) -> dict:
    key = jax.random.key(seed)
    k1, k2, k3, k4 = jax.random.split(key, 4)
    indices_0 = jax.random.randint(k1, (N_LOOKUPS,), 0, NUM_EMB)
    indices_1 = jax.random.randint(k2, (N_LOOKUPS,), 0, NUM_EMB)
    # learned embedding tables (EmbeddingCollection params)
    table_0 = jax.random.normal(k3, (NUM_EMB, DIM), dtype=jnp.float32) * 0.01
    table_1 = jax.random.normal(k4, (NUM_EMB, DIM), dtype=jnp.float32) * 0.01
    return {"indices_0": indices_0, "indices_1": indices_1, "table_0": table_0, "table_1": table_1}


def reference(indices_0, indices_1, table_0, table_1):
    # PECEmbeddingCollection lookup per feature -> JaggedTensor values
    emb_0 = jnp.take(table_0, indices_0, axis=0)  # feature_0 values, [N, D]
    emb_1 = jnp.take(table_1, indices_1, axis=0)  # feature_1 values, [N, D]
    # pred = torch.cat([ec_out[key].values() for key in ['feature_0','feature_1']], dim=0)
    pred = jnp.concatenate([emb_0, emb_1], axis=0)
    loss = jnp.mean(pred)
    # return (loss, ec_out) -> ec_out represented as the per-feature value tensors
    return (loss, emb_0, emb_1)

if __name__ == "__main__":
    import jax
    _d = setup_inputs()
    print(jax.jit(kernel)(*tuple(_d.values())))

</pallas_src>

<mosaic_0001>
#map = affine_map<(d0, d1) -> (0)>
#map1 = affine_map<(d0, d1) -> (0, 0)>
module attributes {stable_mosaic.version = 14 : i64} {
  func.func @_sc_lookup(%arg0: i32, %arg1: i32, %arg2: memref<327680xi32, #tpu.memory_space<hbm>>, %arg3: memref<327680xi32, #tpu.memory_space<hbm>>, %arg4: memref<1000000x32xf32, #tpu.memory_space<hbm>>, %arg5: memref<1000000x32xf32, #tpu.memory_space<hbm>>, %arg6: memref<327680x32xf32, #tpu.memory_space<hbm>>, %arg7: memref<327680x32xf32, #tpu.memory_space<hbm>>, %arg8: memref<32x16xf32, #tpu.memory_space<hbm>>, %arg9: memref<2048xi32, #tpu.memory_space<vmem>>, %arg10: memref<2048x32xf32, #tpu.memory_space<vmem>>, %arg11: memref<16xf32, #tpu.memory_space<vmem>>, %arg12: memref<!tpu.dma_semaphore, #tpu.memory_space<semaphore_mem>>) attributes {dimension_semantics = [#tpu.dimension_semantics<core_parallel>, #tpu.dimension_semantics<subcore_parallel>], iteration_bounds = array<i64: 2, 16>, scalar_prefetch = 0 : i64, scratch_operands = 4 : i64, tpu.core_type = #tpu.core_type<sc_vector_subcore>, window_params = [{transform_indices = #map}, {transform_indices = #map}, {transform_indices = #map1}, {transform_indices = #map1}, {transform_indices = #map1}, {transform_indices = #map1}, {transform_indices = #map1}]} {
    %mul3A = arith.constant 2 : i32
    %mul3A_0 = arith.muli %arg1, %mul3A : i32
    %add3A = arith.addi %mul3A_0, %arg0 : i32
    %mul3A_1 = arith.constant 10240 : i32
    %mul3A_2 = arith.muli %add3A, %mul3A_1 : i32
    %broadcast_in_dim3A = arith.constant 0.000000e+00 : f32
    %broadcast_in_dim3A_3 = vector.broadcast %broadcast_in_dim3A : f32 to vector<16xf32>
    %scan3A = arith.constant 0 : i32
    %scan3A_4 = arith.constant 5 : i32
    %scan3A_5 = arith.addi %scan3A, %scan3A_4 : i32
    %scan3A_6 = arith.constant 1 : i32
    %scan3A_7:2 = scf.for %scan3A_19 = %scan3A to %scan3A_5 step %scan3A_6 iter_args(%scan3A_20 = %broadcast_in_dim3A_3, %scan3A_21 = %broadcast_in_dim3A_3) -> (vector<16xf32>, vector<16xf32>)  : i32 {
      %mul3A_22 = arith.constant 2048 : i32
      %mul3A_23 = arith.muli %scan3A_19, %mul3A_22 : i32
      %add3A_24 = arith.addi %mul3A_2, %mul3A_23 : i32
      "tpu.region"() ({
        %run_scoped3A = tpu.sem_alloc : memref<!tpu.dma_semaphore, #tpu.memory_space<semaphore_mem>>
        %dma_start3A_35 = tpu.memref_slice %arg2[%add3A_24] : memref<327680xi32, #tpu.memory_space<hbm>> -> memref<2048xi32, #tpu.memory_space<hbm>>
        %dma_start3A_36 = tpu.memref_slice %arg2[%add3A_24] : memref<327680xi32, #tpu.memory_space<hbm>> -> memref<2048xi32, #tpu.memory_space<hbm>>
        tpu.enqueue_dma source(%dma_start3A_36 : memref<2048xi32, #tpu.memory_space<hbm>>) target(%arg9 : memref<2048xi32, #tpu.memory_space<vmem>>) target_semaphore(%run_scoped3A : memref<!tpu.dma_semaphore, #tpu.memory_space<semaphore_mem>>)
        %dma_wait3A_37 = tpu.memref_slice %arg2[%add3A_24] : memref<327680xi32, #tpu.memory_space<hbm>> -> memref<2048xi32, #tpu.memory_space<hbm>>
        %dma_wait3A_38 = tpu.memref_slice %arg2[%add3A_24] : memref<327680xi32, #tpu.memory_space<hbm>> -> memref<2048xi32, #tpu.memory_space<hbm>>
        tpu.wait_dma2 semaphore(%run_scoped3A : memref<!tpu.dma_semaphore, #tpu.memory_space<semaphore_mem>>) src(%dma_wait3A_38 : memref<2048xi32, #tpu.memory_space<hbm>>) dst(%arg9 : memref<2048xi32, #tpu.memory_space<vmem>>)
        tpu.yield
      }) : () -> ()
      %dma_start3A = arith.constant 0 : i32
      %dma_start3A_25 = arith.constant 0 : i32
      %dma_start3A_26 = tpu.memref_slice %arg4[%dma_start3A, %dma_start3A_25] : memref<1000000x32xf32, #tpu.memory_space<hbm>> -> memref<1000000x32xf32, #tpu.memory_space<hbm>>
      tpu.enqueue_indirect_dma source(%dma_start3A_26 : memref<1000000x32xf32, #tpu.memory_space<hbm>>) target(%arg10 : memref<2048x32xf32, #tpu.memory_space<vmem>>) offsets(%arg9 : memref<2048xi32, #tpu.memory_space<vmem>>) semaphore(%arg12 : memref<!tpu.dma_semaphore, #tpu.memory_space<semaphore_mem>>)
      %dma_wait3A = arith.constant 0 : i32
      %dma_wait3A_27 = arith.constant 0 : i32
      %dma_wait3A_28 = tpu.memref_slice %arg4[%dma_wait3A, %dma_wait3A_27] : memref<1000000x32xf32, #tpu.memory_space<hbm>> -> memref<1000000x32xf32, #tpu.memory_space<hbm>>
      tpu.wait_indirect_dma semaphore(%arg12 : memref<!tpu.dma_semaphore, #tpu.memory_space<semaphore_mem>>) src(%dma_wait3A_28 : memref<1000000x32xf32, #tpu.memory_space<hbm>>) dst(%arg10 : memref<2048x32xf32, #tpu.memory_space<vmem>>)
      "tpu.region"() ({
        %run_scoped3A = tpu.sem_alloc : memref<!tpu.dma_semaphore, #tpu.memory_space<semaphore_mem>>
        %dma_start3A_35 = arith.constant 0 : i32
        %dma_start3A_36 = tpu.memref_slice %arg6[%add3A_24, %dma_start3A_35] : memref<327680x32xf32, #tpu.memory_space<hbm>> -> memref<2048x32xf32, #tpu.memory_space<hbm>>
        %dma_start3A_37 = arith.constant 0 : i32
        %dma_start3A_38 = tpu.memref_slice %arg6[%add3A_24, %dma_start3A_37] : memref<327680x32xf32, #tpu.memory_space<hbm>> -> memref<2048x32xf32, #tpu.memory_space<hbm>>
        tpu.enqueue_dma source(%arg10 : memref<2048x32xf32, #tpu.memory_space<vmem>>) target(%dma_start3A_38 : memref<2048x32xf32, #tpu.memory_space<hbm>>) target_semaphore(%run_scoped3A : memref<!tpu.dma_semaphore, #tpu.memory_space<semaphore_mem>>)
        %dma_wait3A_39 = arith.constant 0 : i32
        %dma_wait3A_40 = tpu.memref_slice %arg6[%add3A_24, %dma_wait3A_39] : memref<327680x32xf32, #tpu.memory_space<hbm>> -> memref<2048x32xf32, #tpu.memory_space<hbm>>
        %dma_wait3A_41 = arith.constant 0 : i32
        %dma_wait3A_42 = tpu.memref_slice %arg6[%add3A_24, %dma_wait3A_41] : memref<327680x32xf32, #tpu.memory_space<hbm>> -> memref<2048x32xf32, #tpu.memory_space<hbm>>
        tpu.wait_dma2 semaphore(%run_scoped3A : memref<!tpu.dma_semaphore, #tpu.memory_space<semaphore_mem>>) src(%arg10 : memref<2048x32xf32, #tpu.memory_space<vmem>>) dst(%dma_wait3A_42 : memref<2048x32xf32, #tpu.memory_space<hbm>>)
        tpu.yield
      }) : () -> ()
      %scan3A_29 = arith.constant 0 : i32
      %scan3A_30 = arith.constant 2048 : i32
      %scan3A_31 = arith.addi %scan3A_29, %scan3A_30 : i32
      %scan3A_32 = arith.constant 8 : i32
      %scan3A_33:2 = scf.for %scan3A_35 = %scan3A_29 to %scan3A_31 step %scan3A_32 iter_args(%scan3A_36 = %scan3A_20, %scan3A_37 = %scan3A_21) -> (vector<16xf32>, vector<16xf32>)  : i32 {
        %get3A = arith.index_cast %scan3A_35 : i32 to index
        %get3A_38 = arith.constant 0 : index
        %get3A_39 = tpu.vector_load %arg10[%get3A, %get3A_38] {strides = array<i32>} : memref<2048x32xf32, #tpu.memory_space<vmem>>, vector<1x16xf32>,
        %get3A_40 = vector.shape_cast %get3A_39 : vector<1x16xf32> to vector<16xf32>
        %add3A_41 = arith.addf %scan3A_36, %get3A_40 : vector<16xf32>
        %get3A_42 = arith.index_cast %scan3A_35 : i32 to index
        %get3A_43 = arith.constant 16 : index
        %get3A_44 = tpu.vector_load %arg10[%get3A_42, %get3A_43] {strides = array<i32>} : memref<2048x32xf32, #tpu.memory_space<vmem>>, vector<1x16xf32>,
        %get3A_45 = vector.shape_cast %get3A_44 : vector<1x16xf32> to vector<16xf32>
        %add3A_46 = arith.addf %scan3A_37, %get3A_45 : vector<16xf32>
        %scan3A_47 = arith.constant 1 : i32
        %scan3A_48 = arith.addi %scan3A_35, %scan3A_47 : i32
        %get3A_49 = arith.index_cast %scan3A_48 : i32 to index
        %get3A_50 = arith.constant 0 : index
        %get3A_51 = tpu.vector_load %arg10[%get3A_49, %get3A_50] {strides = array<i32>} : memref<2048x32xf32, #tpu.memory_space<vmem>>, vector<1x16xf32>,
        %get3A_52 = vector.shape_cast %get3A_51 : vector<1x16xf32> to vector<16xf32>
        %add3A_53 = arith.addf %add3A_41, %get3A_52 : vector<16xf32>
        %get3A_54 = arith.index_cast %scan3A_48 : i32 to index
        %get3A_55 = arith.constant 16 : index
        %get3A_56 = tpu.vector_load %arg10[%get3A_54, %get3A_55] {strides = array<i32>} : memref<2048x32xf32, #tpu.memory_space<vmem>>, vector<1x16xf32>,
        %get3A_57 = vector.shape_cast %get3A_56 : vector<1x16xf32> to vector<16xf32>
        %add3A_58 = arith.addf %add3A_46, %get3A_57 : vector<16xf32>
        %scan3A_59 = arith.constant 2 : i32
        %scan3A_60 = arith.addi %scan3A_35, %scan3A_59 : i32
        %get3A_61 = arith.index_cast %scan3A_60 : i32 to index
        %get3A_62 = arith.constant 0 : index
        %get3A_63 = tpu.vector_load %arg10[%get3A_61, %get3A_62] {strides = array<i32>} : memref<2048x32xf32, #tpu.memory_space<vmem>>, vector<1x16xf32>,
        %get3A_64 = vector.shape_cast %get3A_63 : vector<1x16xf32> to vector<16xf32>
        %add3A_65 = arith.addf %add3A_53, %get3A_64 : vector<16xf32>
        %get3A_66 = arith.index_cast %scan3A_60 : i32 to index
        %get3A_67 = arith.constant 16 : index
        %get3A_68 = tpu.vector_load %arg10[%get3A_66, %get3A_67] {strides = array<i32>} : memref<2048x32xf32, #tpu.memory_space<vmem>>, vector<1x16xf32>,
        %get3A_69 = vector.shape_cast %get3A_68 : vector<1x16xf32> to vector<16xf32>
        %add3A_70 = arith.addf %add3A_58, %get3A_69 : vector<16xf32>
        %scan3A_71 = arith.constant 3 : i32
        %scan3A_72 = arith.addi %scan3A_35, %scan3A_71 : i32
        %get3A_73 = arith.index_cast %scan3A_72 : i32 to index
        %get3A_74 = arith.constant 0 : index
        %get3A_75 = tpu.vector_load %arg10[%get3A_73, %get3A_74] {strides = array<i32>} : memref<2048x32xf32, #tpu.memory_space<vmem>>, vector<1x16xf32>,
        %get3A_76 = vector.shape_cast %get3A_75 : vector<1x16xf32> to vector<16xf32>
        %add3A_77 = arith.addf %add3A_65, %get3A_76 : vector<16xf32>
        %get3A_78 = arith.index_cast %scan3A_72 : i32 to index
        %get3A_79 = arith.constant 16 : index
        %get3A_80 = tpu.vector_load %arg10[%get3A_78, %get3A_79] {strides = array<i32>} : memref<2048x32xf32, #tpu.memory_space<vmem>>, vector<1x16xf32>,
        %get3A_81 = vector.shape_cast %get3A_80 : vector<1x16xf32> to vector<16xf32>
        %add3A_82 = arith.addf %add3A_70, %get3A_81 : vector<16xf32>
        %scan3A_83 = arith.constant 4 : i32
        %scan3A_84 = arith.addi %scan3A_35, %scan3A_83 : i32
        %get3A_85 = arith.index_cast %scan3A_84 : i32 to index
        %get3A_86 = arith.constant 0 : index
        %get3A_87 = tpu.vector_load %arg10[%get3A_85, %get3A_86] {strides = array<i32>} : memref<2048x32xf32, #tpu.memory_space<vmem>>, vector<1x16xf32>,
        %get3A_88 = vector.shape_cast %get3A_87 : vector<1x16xf32> to vector<16xf32>
        %add3A_89 = arith.addf %add3A_77, %get3A_88 : vector<16xf32>
        %get3A_90 = arith.index_cast %scan3A_84 : i32 to index
        %get3A_91 = arith.constant 16 : index
        %get3A_92 = tpu.vector_load %arg10[%get3A_90, %get3A_91] {strides = array<i32>} : memref<2048x32xf32, #tpu.memory_space<vmem>>, vector<1x16xf32>,
        %get3A_93 = vector.shape_cast %get3A_92 : vector<1x16xf32> to vector<16xf32>
        %add3A_94 = arith.addf %add3A_82, %get3A_93 : vector<16xf32>
        %scan3A_95 = arith.constant 5 : i32
        %scan3A_96 = arith.addi %scan3A_35, %scan3A_95 : i32
        %get3A_97 = arith.index_cast %scan3A_96 : i32 to index
        %get3A_98 = arith.constant 0 : index
        %get3A_99 = tpu.vector_load %arg10[%get3A_97, %get3A_98] {strides = array<i32>} : memref<2048x32xf32, #tpu.memory_space<vmem>>, vector<1x16xf32>,
        %get3A_100 = vector.shape_cast %get3A_99 : vector<1x16xf32> to vector<16xf32>
        %add3A_101 = arith.addf %add3A_89, %get3A_100 : vector<16xf32>
        %get3A_102 = arith.index_cast %scan3A_96 : i32 to index
        %get3A_103 = arith.constant 16 : index
        %get3A_104 = tpu.vector_load %arg10[%get3A_102, %get3A_103] {strides = array<i32>} : memref<2048x32xf32, #tpu.memory_space<vmem>>, vector<1x16xf32>,
        %get3A_105 = vector.shape_cast %get3A_104 : vector<1x16xf32> to vector<16xf32>
        %add3A_106 = arith.addf %add3A_94, %get3A_105 : vector<16xf32>
        %scan3A_107 = arith.constant 6 : i32
        %scan3A_108 = arith.addi %scan3A_35, %scan3A_107 : i32
        %get3A_109 = arith.index_cast %scan3A_108 : i32 to index
        %get3A_110 = arith.constant 0 : index
        %get3A_111 = tpu.vector_load %arg10[%get3A_109, %get3A_110] {strides = array<i32>} : memref<2048x32xf32, #tpu.memory_space<vmem>>, vector<1x16xf32>,
        %get3A_112 = vector.shape_cast %get3A_111 : vector<1x16xf32> to vector<16xf32>
        %add3A_113 = arith.addf %add3A_101, %get3A_112 : vector<16xf32>
        %get3A_114 = arith.index_cast %scan3A_108 : i32 to index
        %get3A_115 = arith.constant 16 : index
        %get3A_116 = tpu.vector_load %arg10[%get3A_114, %get3A_115] {strides = array<i32>} : memref<2048x32xf32, #tpu.memory_space<vmem>>, vector<1x16xf32>,
        %get3A_117 = vector.shape_cast %get3A_116 : vector<1x16xf32> to vector<16xf32>
        %add3A_118 = arith.addf %add3A_106, %get3A_117 : vector<16xf32>
        %scan3A_119 = arith.constant 7 : i32
        %scan3A_120 = arith.addi %scan3A_35, %scan3A_119 : i32
        %get3A_121 = arith.index_cast %scan3A_120 : i32 to index
        %get3A_122 = arith.constant 0 : index
        %get3A_123 = tpu.vector_load %arg10[%get3A_121, %get3A_122] {strides = array<i32>} : memref<2048x32xf32, #tpu.memory_space<vmem>>, vector<1x16xf32>,
        %get3A_124 = vector.shape_cast %get3A_123 : vector<1x16xf32> to vector<16xf32>
        %add3A_125 = arith.addf %add3A_113, %get3A_124 : vector<16xf32>
        %get3A_126 = arith.index_cast %scan3A_120 : i32 to index
        %get3A_127 = arith.constant 16 : index
        %get3A_128 = tpu.vector_load %arg10[%get3A_126, %get3A_127] {strides = array<i32>} : memref<2048x32xf32, #tpu.memory_space<vmem>>, vector<1x16xf32>,
        %get3A_129 = vector.shape_cast %get3A_128 : vector<1x16xf32> to vector<16xf32>
        %add3A_130 = arith.addf %add3A_118, %get3A_129 : vector<16xf32>
        scf.yield %add3A_125, %add3A_130 : vector<16xf32>, vector<16xf32>
      }
      %scan3A_34 = arith.constant 2048 : i32
      scf.yield %scan3A_33#0, %scan3A_33#1 : vector<16xf32>, vector<16xf32>
    }
    %scan3A_8 = arith.constant 5 : i32
    %scan3A_9 = arith.constant 0 : i32
    %scan3A_10 = arith.constant 5 : i32
    %scan3A_11 = arith.addi %scan3A_9, %scan3A_10 : i32
    %scan3A_12 = arith.constant 1 : i32
    %scan3A_13:2 = scf.for %scan3A_19 = %scan3A_9 to %scan3A_11 step %scan3A_12 iter_args(%scan3A_20 = %scan3A_7#0, %scan3A_21 = %scan3A_7#1) -> (vector<16xf32>, vector<16xf32>)  : i32 {
      %mul3A_22 = arith.constant 2048 : i32
      %mul3A_23 = arith.muli %scan3A_19, %mul3A_22 : i32
      %add3A_24 = arith.addi %mul3A_2, %mul3A_23 : i32
      "tpu.region"() ({
        %run_scoped3A = tpu.sem_alloc : memref<!tpu.dma_semaphore, #tpu.memory_space<semaphore_mem>>
        %dma_start3A_35 = tpu.memref_slice %arg3[%add3A_24] : memref<327680xi32, #tpu.memory_space<hbm>> -> memref<2048xi32, #tpu.memory_space<hbm>>
        %dma_start3A_36 = tpu.memref_slice %arg3[%add3A_24] : memref<327680xi32, #tpu.memory_space<hbm>> -> memref<2048xi32, #tpu.memory_space<hbm>>
        tpu.enqueue_dma source(%dma_start3A_36 : memref<2048xi32, #tpu.memory_space<hbm>>) target(%arg9 : memref<2048xi32, #tpu.memory_space<vmem>>) target_semaphore(%run_scoped3A : memref<!tpu.dma_semaphore, #tpu.memory_space<semaphore_mem>>)
        %dma_wait3A_37 = tpu.memref_slice %arg3[%add3A_24] : memref<327680xi32, #tpu.memory_space<hbm>> -> memref<2048xi32, #tpu.memory_space<hbm>>
        %dma_wait3A_38 = tpu.memref_slice %arg3[%add3A_24] : memref<327680xi32, #tpu.memory_space<hbm>> -> memref<2048xi32, #tpu.memory_space<hbm>>
        tpu.wait_dma2 semaphore(%run_scoped3A : memref<!tpu.dma_semaphore, #tpu.memory_space<semaphore_mem>>) src(%dma_wait3A_38 : memref<2048xi32, #tpu.memory_space<hbm>>) dst(%arg9 : memref<2048xi32, #tpu.memory_space<vmem>>)
        tpu.yield
      }) : () -> ()
      %dma_start3A = arith.constant 0 : i32
      %dma_start3A_25 = arith.constant 0 : i32
      %dma_start3A_26 = tpu.memref_slice %arg5[%dma_start3A, %dma_start3A_25] : memref<1000000x32xf32, #tpu.memory_space<hbm>> -> memref<1000000x32xf32, #tpu.memory_space<hbm>>
      tpu.enqueue_indirect_dma source(%dma_start3A_26 : memref<1000000x32xf32, #tpu.memory_space<hbm>>) target(%arg10 : memref<2048x32xf32, #tpu.memory_space<vmem>>) offsets(%arg9 : memref<2048xi32, #tpu.memory_space<vmem>>) semaphore(%arg12 : memref<!tpu.dma_semaphore, #tpu.memory_space<semaphore_mem>>)
      %dma_wait3A = arith.constant 0 : i32
      %dma_wait3A_27 = arith.constant 0 : i32
      %dma_wait3A_28 = tpu.memref_slice %arg5[%dma_wait3A, %dma_wait3A_27] : memref<1000000x32xf32, #tpu.memory_space<hbm>> -> memref<1000000x32xf32, #tpu.memory_space<hbm>>
      tpu.wait_indirect_dma semaphore(%arg12 : memref<!tpu.dma_semaphore, #tpu.memory_space<semaphore_mem>>) src(%dma_wait3A_28 : memref<1000000x32xf32, #tpu.memory_space<hbm>>) dst(%arg10 : memref<2048x32xf32, #tpu.memory_space<vmem>>)
      "tpu.region"() ({
        %run_scoped3A = tpu.sem_alloc : memref<!tpu.dma_semaphore, #tpu.memory_space<semaphore_mem>>
        %dma_start3A_35 = arith.constant 0 : i32
        %dma_start3A_36 = tpu.memref_slice %arg7[%add3A_24, %dma_start3A_35] : memref<327680x32xf32, #tpu.memory_space<hbm>> -> memref<2048x32xf32, #tpu.memory_space<hbm>>
        %dma_start3A_37 = arith.constant 0 : i32
        %dma_start3A_38 = tpu.memref_slice %arg7[%add3A_24, %dma_start3A_37] : memref<327680x32xf32, #tpu.memory_space<hbm>> -> memref<2048x32xf32, #tpu.memory_space<hbm>>
        tpu.enqueue_dma source(%arg10 : memref<2048x32xf32, #tpu.memory_space<vmem>>) target(%dma_start3A_38 : memref<2048x32xf32, #tpu.memory_space<hbm>>) target_semaphore(%run_scoped3A : memref<!tpu.dma_semaphore, #tpu.memory_space<semaphore_mem>>)
        %dma_wait3A_39 = arith.constant 0 : i32
        %dma_wait3A_40 = tpu.memref_slice %arg7[%add3A_24, %dma_wait3A_39] : memref<327680x32xf32, #tpu.memory_space<hbm>> -> memref<2048x32xf32, #tpu.memory_space<hbm>>
        %dma_wait3A_41 = arith.constant 0 : i32
        %dma_wait3A_42 = tpu.memref_slice %arg7[%add3A_24, %dma_wait3A_41] : memref<327680x32xf32, #tpu.memory_space<hbm>> -> memref<2048x32xf32, #tpu.memory_space<hbm>>
        tpu.wait_dma2 semaphore(%run_scoped3A : memref<!tpu.dma_semaphore, #tpu.memory_space<semaphore_mem>>) src(%arg10 : memref<2048x32xf32, #tpu.memory_space<vmem>>) dst(%dma_wait3A_42 : memref<2048x32xf32, #tpu.memory_space<hbm>>)
        tpu.yield
      }) : () -> ()
      %scan3A_29 = arith.constant 0 : i32
      %scan3A_30 = arith.constant 2048 : i32
      %scan3A_31 = arith.addi %scan3A_29, %scan3A_30 : i32
      %scan3A_32 = arith.constant 8 : i32
      %scan3A_33:2 = scf.for %scan3A_35 = %scan3A_29 to %scan3A_31 step %scan3A_32 iter_args(%scan3A_36 = %scan3A_20, %scan3A_37 = %scan3A_21) -> (vector<16xf32>, vector<16xf32>)  : i32 {
        %get3A = arith.index_cast %scan3A_35 : i32 to index
        %get3A_38 = arith.constant 0 : index
        %get3A_39 = tpu.vector_load %arg10[%get3A, %get3A_38] {strides = array<i32>} : memref<2048x32xf32, #tpu.memory_space<vmem>>, vector<1x16xf32>,
        %get3A_40 = vector.shape_cast %get3A_39 : vector<1x16xf32> to vector<16xf32>
        %add3A_41 = arith.addf %scan3A_36, %get3A_40 : vector<16xf32>
        %get3A_42 = arith.index_cast %scan3A_35 : i32 to index
        %get3A_43 = arith.constant 16 : index
        %get3A_44 = tpu.vector_load %arg10[%get3A_42, %get3A_43] {strides = array<i32>} : memref<2048x32xf32, #tpu.memory_space<vmem>>, vector<1x16xf32>,
        %get3A_45 = vector.shape_cast %get3A_44 : vector<1x16xf32> to vector<16xf32>
        %add3A_46 = arith.addf %scan3A_37, %get3A_45 : vector<16xf32>
        %scan3A_47 = arith.constant 1 : i32
        %scan3A_48 = arith.addi %scan3A_35, %scan3A_47 : i32
        %get3A_49 = arith.index_cast %scan3A_48 : i32 to index
        %get3A_50 = arith.constant 0 : index
        %get3A_51 = tpu.vector_load %arg10[%get3A_49, %get3A_50] {strides = array<i32>} : memref<2048x32xf32, #tpu.memory_space<vmem>>, vector<1x16xf32>,
        %get3A_52 = vector.shape_cast %get3A_51 : vector<1x16xf32> to vector<16xf32>
        %add3A_53 = arith.addf %add3A_41, %get3A_52 : vector<16xf32>
        %get3A_54 = arith.index_cast %scan3A_48 : i32 to index
        %get3A_55 = arith.constant 16 : index
        %get3A_56 = tpu.vector_load %arg10[%get3A_54, %get3A_55] {strides = array<i32>} : memref<2048x32xf32, #tpu.memory_space<vmem>>, vector<1x16xf32>,
        %get3A_57 = vector.shape_cast %get3A_56 : vector<1x16xf32> to vector<16xf32>
        %add3A_58 = arith.addf %add3A_46, %get3A_57 : vector<16xf32>
        %scan3A_59 = arith.constant 2 : i32
        %scan3A_60 = arith.addi %scan3A_35, %scan3A_59 : i32
        %get3A_61 = arith.index_cast %scan3A_60 : i32 to index
        %get3A_62 = arith.constant 0 : index
        %get3A_63 = tpu.vector_load %arg10[%get3A_61, %get3A_62] {strides = array<i32>} : memref<2048x32xf32, #tpu.memory_space<vmem>>, vector<1x16xf32>,
        %get3A_64 = vector.shape_cast %get3A_63 : vector<1x16xf32> to vector<16xf32>
        %add3A_65 = arith.addf %add3A_53, %get3A_64 : vector<16xf32>
        %get3A_66 = arith.index_cast %scan3A_60 : i32 to index
        %get3A_67 = arith.constant 16 : index
        %get3A_68 = tpu.vector_load %arg10[%get3A_66, %get3A_67] {strides = array<i32>} : memref<2048x32xf32, #tpu.memory_space<vmem>>, vector<1x16xf32>,
        %get3A_69 = vector.shape_cast %get3A_68 : vector<1x16xf32> to vector<16xf32>
        %add3A_70 = arith.addf %add3A_58, %get3A_69 : vector<16xf32>
        %scan3A_71 = arith.constant 3 : i32
        %scan3A_72 = arith.addi %scan3A_35, %scan3A_71 : i32
        %get3A_73 = arith.index_cast %scan3A_72 : i32 to index
        %get3A_74 = arith.constant 0 : index
        %get3A_75 = tpu.vector_load %arg10[%get3A_73, %get3A_74] {strides = array<i32>} : memref<2048x32xf32, #tpu.memory_space<vmem>>, vector<1x16xf32>,
        %get3A_76 = vector.shape_cast %get3A_75 : vector<1x16xf32> to vector<16xf32>
        %add3A_77 = arith.addf %add3A_65, %get3A_76 : vector<16xf32>
        %get3A_78 = arith.index_cast %scan3A_72 : i32 to index
        %get3A_79 = arith.constant 16 : index
        %get3A_80 = tpu.vector_load %arg10[%get3A_78, %get3A_79] {strides = array<i32>} : memref<2048x32xf32, #tpu.memory_space<vmem>>, vector<1x16xf32>,
        %get3A_81 = vector.shape_cast %get3A_80 : vector<1x16xf32> to vector<16xf32>
        %add3A_82 = arith.addf %add3A_70, %get3A_81 : vector<16xf32>
        %scan3A_83 = arith.constant 4 : i32
        %scan3A_84 = arith.addi %scan3A_35, %scan3A_83 : i32
        %get3A_85 = arith.index_cast %scan3A_84 : i32 to index
        %get3A_86 = arith.constant 0 : index
        %get3A_87 = tpu.vector_load %arg10[%get3A_85, %get3A_86] {strides = array<i32>} : memref<2048x32xf32, #tpu.memory_space<vmem>>, vector<1x16xf32>,
        %get3A_88 = vector.shape_cast %get3A_87 : vector<1x16xf32> to vector<16xf32>
        %add3A_89 = arith.addf %add3A_77, %get3A_88 : vector<16xf32>
        %get3A_90 = arith.index_cast %scan3A_84 : i32 to index
        %get3A_91 = arith.constant 16 : index
        %get3A_92 = tpu.vector_load %arg10[%get3A_90, %get3A_91] {strides = array<i32>} : memref<2048x32xf32, #tpu.memory_space<vmem>>, vector<1x16xf32>,
        %get3A_93 = vector.shape_cast %get3A_92 : vector<1x16xf32> to vector<16xf32>
        %add3A_94 = arith.addf %add3A_82, %get3A_93 : vector<16xf32>
        %scan3A_95 = arith.constant 5 : i32
        %scan3A_96 = arith.addi %scan3A_35, %scan3A_95 : i32
        %get3A_97 = arith.index_cast %scan3A_96 : i32 to index
        %get3A_98 = arith.constant 0 : index
        %get3A_99 = tpu.vector_load %arg10[%get3A_97, %get3A_98] {strides = array<i32>} : memref<2048x32xf32, #tpu.memory_space<vmem>>, vector<1x16xf32>,
        %get3A_100 = vector.shape_cast %get3A_99 : vector<1x16xf32> to vector<16xf32>
        %add3A_101 = arith.addf %add3A_89, %get3A_100 : vector<16xf32>
        %get3A_102 = arith.index_cast %scan3A_96 : i32 to index
        %get3A_103 = arith.constant 16 : index
        %get3A_104 = tpu.vector_load %arg10[%get3A_102, %get3A_103] {strides = array<i32>} : memref<2048x32xf32, #tpu.memory_space<vmem>>, vector<1x16xf32>,
        %get3A_105 = vector.shape_cast %get3A_104 : vector<1x16xf32> to vector<16xf32>
        %add3A_106 = arith.addf %add3A_94, %get3A_105 : vector<16xf32>
        %scan3A_107 = arith.constant 6 : i32
        %scan3A_108 = arith.addi %scan3A_35, %scan3A_107 : i32
        %get3A_109 = arith.index_cast %scan3A_108 : i32 to index
        %get3A_110 = arith.constant 0 : index
        %get3A_111 = tpu.vector_load %arg10[%get3A_109, %get3A_110] {strides = array<i32>} : memref<2048x32xf32, #tpu.memory_space<vmem>>, vector<1x16xf32>,
        %get3A_112 = vector.shape_cast %get3A_111 : vector<1x16xf32> to vector<16xf32>
        %add3A_113 = arith.addf %add3A_101, %get3A_112 : vector<16xf32>
        %get3A_114 = arith.index_cast %scan3A_108 : i32 to index
        %get3A_115 = arith.constant 16 : index
        %get3A_116 = tpu.vector_load %arg10[%get3A_114, %get3A_115] {strides = array<i32>} : memref<2048x32xf32, #tpu.memory_space<vmem>>, vector<1x16xf32>,
        %get3A_117 = vector.shape_cast %get3A_116 : vector<1x16xf32> to vector<16xf32>
        %add3A_118 = arith.addf %add3A_106, %get3A_117 : vector<16xf32>
        %scan3A_119 = arith.constant 7 : i32
        %scan3A_120 = arith.addi %scan3A_35, %scan3A_119 : i32
        %get3A_121 = arith.index_cast %scan3A_120 : i32 to index
        %get3A_122 = arith.constant 0 : index
        %get3A_123 = tpu.vector_load %arg10[%get3A_121, %get3A_122] {strides = array<i32>} : memref<2048x32xf32, #tpu.memory_space<vmem>>, vector<1x16xf32>,
        %get3A_124 = vector.shape_cast %get3A_123 : vector<1x16xf32> to vector<16xf32>
        %add3A_125 = arith.addf %add3A_113, %get3A_124 : vector<16xf32>
        %get3A_126 = arith.index_cast %scan3A_120 : i32 to index
        %get3A_127 = arith.constant 16 : index
        %get3A_128 = tpu.vector_load %arg10[%get3A_126, %get3A_127] {strides = array<i32>} : memref<2048x32xf32, #tpu.memory_space<vmem>>, vector<1x16xf32>,
        %get3A_129 = vector.shape_cast %get3A_128 : vector<1x16xf32> to vector<16xf32>
        %add3A_130 = arith.addf %add3A_118, %get3A_129 : vector<16xf32>
        scf.yield %add3A_125, %add3A_130 : vector<16xf32>, vector<16xf32>
      }
      %scan3A_34 = arith.constant 2048 : i32
      scf.yield %scan3A_33#0, %scan3A_33#1 : vector<16xf32>, vector<16xf32>
    }
    %scan3A_14 = arith.constant 5 : i32
    %add3A_15 = arith.addf %scan3A_13#0, %scan3A_13#1 : vector<16xf32>
    %swap3A = arith.constant 0 : index
    %swap3A_16 = tpu.vector_load %arg11[%swap3A] {strides = array<i32>} : memref<16xf32, #tpu.memory_space<vmem>>, vector<16xf32>,
    %swap3A_17 = vector.shape_cast %swap3A_16 : vector<16xf32> to vector<16xf32>
    %swap3A_18 = vector.shape_cast %add3A_15 : vector<16xf32> to vector<16xf32>
    tpu.vector_store %arg11[%swap3A], %swap3A_18 {strides = array<i32>} : memref<16xf32, #tpu.memory_space<vmem>>, vector<16xf32>,
    "tpu.region"() ({
      %run_scoped3A = tpu.sem_alloc : memref<!tpu.dma_semaphore, #tpu.memory_space<semaphore_mem>>
      %dma_start3A = arith.constant 0 : i32
      %dma_start3A_19 = tpu.memref_slice %arg8[%add3A, %dma_start3A] : memref<32x16xf32, #tpu.memory_space<hbm>> -> memref<1x16xf32, #tpu.memory_space<hbm>>
      %dma_start3A_20 = tpu.memref_squeeze %dma_start3A_19 : memref<1x16xf32, #tpu.memory_space<hbm>> -> memref<16xf32, #tpu.memory_space<hbm>>
      %dma_start3A_21 = arith.constant 0 : i32
      %dma_start3A_22 = tpu.memref_slice %arg8[%add3A, %dma_start3A_21] : memref<32x16xf32, #tpu.memory_space<hbm>> -> memref<1x16xf32, #tpu.memory_space<hbm>>
      %dma_start3A_23 = tpu.memref_squeeze %dma_start3A_22 : memref<1x16xf32, #tpu.memory_space<hbm>> -> memref<16xf32, #tpu.memory_space<hbm>>
      tpu.enqueue_dma source(%arg11 : memref<16xf32, #tpu.memory_space<vmem>>) target(%dma_start3A_23 : memref<16xf32, #tpu.memory_space<hbm>>) target_semaphore(%run_scoped3A : memref<!tpu.dma_semaphore, #tpu.memory_space<semaphore_mem>>)
      %dma_wait3A = arith.constant 0 : i32
      %dma_wait3A_24 = tpu.memref_slice %arg8[%add3A, %dma_wait3A] : memref<32x16xf32, #tpu.memory_space<hbm>> -> memref<1x16xf32, #tpu.memory_space<hbm>>
      %dma_wait3A_25 = tpu.memref_squeeze %dma_wait3A_24 : memref<1x16xf32, #tpu.memory_space<hbm>> -> memref<16xf32, #tpu.memory_space<hbm>>
      %dma_wait3A_26 = arith.constant 0 : i32
      %dma_wait3A_27 = tpu.memref_slice %arg8[%add3A, %dma_wait3A_26] : memref<32x16xf32, #tpu.memory_space<hbm>> -> memref<1x16xf32, #tpu.memory_space<hbm>>
      %dma_wait3A_28 = tpu.memref_squeeze %dma_wait3A_27 : memref<1x16xf32, #tpu.memory_space<hbm>> -> memref<16xf32, #tpu.memory_space<hbm>>
      tpu.wait_dma2 semaphore(%run_scoped3A : memref<!tpu.dma_semaphore, #tpu.memory_space<semaphore_mem>>) src(%arg11 : memref<16xf32, #tpu.memory_space<vmem>>) dst(%dma_wait3A_28 : memref<16xf32, #tpu.memory_space<hbm>>)
      tpu.yield
    }) : () -> ()
    return
  }
}

</mosaic_0001>

<sc_bundles>
// kernel: kernel.3.cloned.1.call-start
scs
__scs_entry_jumppad:
0x0: {  	(pc) =	sbr.rel $0x88, $3  }
0x1: {  	(tag) =	ssettag $0x0;
	lr =	simm.s32 $0x1  }
0x2: {  	[smem:$0x3F9D] =	sst lr;
	_ =	strace $0xD0000000  }
0x3: {  	_ = 	snop  }
0x4: {  	_ = 	snop  }
0x5: {  	_ = 	snop  }
0x6: {  	_ = 	snop  }
0x7: {  	_ = 	snop  }
__scs_overlays_trampoline_lowered:
0x8: {  	[smem:$0x3FAC] =	sst s0  }
0x9: {  	[smem:$0x3FAD] =	sst s1  }
0xa: {  	[smem:$0x3FAE] =	sst s2  }
0xb: {  	[smem:$0x3FAF] =	sst s3  }
0xc: {  	[smem:$0x3FB0] =	sst s4  }
0xd: {  	[smem:$0x3FB1] =	sst s5  }
0xe: {  	[smem:$0x3FB2] =	sst s6  }
0xf: {  	[smem:$0x3FB3] =	sst s7  }
0x10: {  	[smem:$0x3FB4] =	sst s8  }
0x11: {  	[smem:$0x3FB5] =	sst s9;
	s0 =	simm.s32 @!p0 $0x0  }
0x12: {  	s1 =	sld [smem:$0x3F9B];
	s0 =	simm.s32 @p0 $0x1  }
0x13: {  	[smem:$0x3FB6] =	sst s0;
	s0 =	simm.s32 @!p1 $0x0  }
0x14: {  	s2 =	sld [smem:$0x3F9A];
	s0 =	simm.s32 @p1 $0x1  }
0x15: {  	[smem:$0x3FB7] =	sst s0;
	s0 =	simm.s32 @!p2 $0x0  }
0x16: {  	s3 =	sld [smem:$0x3FDB];
	s0 =	simm.s32 @p2 $0x1  }
0x17: {  	s4 =	simm.s32 $0x1BF5;
	[smem:$0x3FB9] =	sst s0  }
0x18: {  	s0 =	sld [smem:$0x3F9C];
	_ =	swait.ge [sflag:s4], $0x0  }
0x19: {  	s7 =	sld [smem:$0x3F9D]  }
0x1a: {  	s8 =	sadd.s32 $0xFFFFE003, lr  }
0x1b: {  	s9 =	sadd.s32 $0xFFFFFEF7, lr;
	s5 =	simm.s32 $0xFFFFFFFF;
	p2 =	slt.u32 s8, $0xFFFFF086  }
0x1c: {  	p1 =	slt.u32 s9, $0xF7A;
	s5 =	simm.s32 @!p2 $0x0  }
0x1d: {  	s5 =	simm.s32 @p1 $0x1;
	p0 =	seq.s32 s7, s2  }
0x1e: {  	s7 =	smul.u32 @!p0 $0xF7A, s2;
	p2 =	seq.s32 @!p0 s5, $0x0  }
0x1f: {  	s9 =	smul.u32 $0xF7A, s1;
	s8 =	simm.s32 @!p0 $0x1BF5;
	p2 =	por !p2, p0  }
0x20: {  	[sflag:s8] =	ssyncset.s32 @!p0 $0xFFFFF086;
	s6 =	sadd.s32 @!p0 s3, s7;
	s7 =	simm.s32 @!p0 $0x108  }
0x21: {  	s3 =	sadd.s32 s3, s9;
	s6 =	sadd.s32 @!p0 $0x88, s6;
	s7 =	simm.s32 @p2 $0x1082  }
0x22: {  	[simem:s7], [sflag:s8] =	dma.local @!p0 [hbm:s6], $0xF7A  }
0x23: {  	s9 =	sor.u32 $0xD0000000, s2;
	s6 =	simm.s32 $0x108;
	_ =	swait.ge @!p0 [sflag:s8], $0x0  }
0x24: {  	s3 =	sadd.s32 $0x88, s3;
	s6 =	simm.s32 @!p1 $0x1082;
	[sflag:s4] =	ssyncset.s32 $0xFFFFF086  }
0x25: {  	[simem:s6], [sflag:s4] =	dma.local [hbm:s3], $0xF7A  }
0x26: {  	[smem:$0x3F9D] =	sst s1;
	(tag) =	ssettag s2;
	_ =	strace s9  }
0x27: {  	s1 =	sld [smem:$0x3FAD]  }
0x28: {  	s2 =	sld [smem:$0x3FAE]  }
0x29: {  	s4 =	sld [smem:$0x3FB0]  }
0x2a: {  	p0 =	seq.s32 s5, $0x0;
	s5 =	sld [smem:$0x3FB1]  }
0x2b: {  	s6 =	sld [smem:$0x3FB2]  }
0x2c: {  	s7 =	sld [smem:$0x3FB3]  }
0x2d: {  	s3 =	simm.s32 $0x108;
	s8 =	sld [smem:$0x3FB4]  }
0x2e: {  	s3 =	simm.s32 @!p0 $0x1082;
	s9 =	sld [smem:$0x3FB5]  }
0x2f: {  	lr =	sadd.s32 s0, s3;
	s0 =	sld [smem:$0x3FAC]  }
0x30: {  	s3 =	sld [smem:$0x3FAF]  }
0x31: {  	[smem:$0x3FB8] =	sst s10  }
0x32: {  	s10 =	sld [smem:$0x3FB6];
	_ =	sdelay $0x3  }
0x33: {  	p0 =	seq.s32 s10, $0x1;
	s10 =	sld [smem:$0x3FB8];
	_ =	sdelay $0x3  }
0x34: {  	[smem:$0x3FB8] =	sst s10  }
0x35: {  	s10 =	sld [smem:$0x3FB7];
	_ =	sdelay $0x3  }
0x36: {  	p1 =	seq.s32 s10, $0x1;
	s10 =	sld [smem:$0x3FB8];
	_ =	sdelay $0x3  }
0x37: {  	[smem:$0x3FB8] =	sst s10  }
0x38: {  	s10 =	sld [smem:$0x3FB9]  }
0x39: {  	_ = 	snop;
	(pc) =	sbr.ind lr, $3  }
0x3a: {  	_ = 	snop  }
0x3b: {  	_ = 	snop  }
0x3c: {  	p2 =	seq.s32 s10, $0x1;
	s10 =	sld [smem:$0x3FB8]  }
0x3d: {  	_ =	shalt  }
0x3e: {  	_ =	shalt  }
0x3f: {  	_ =	shalt  }
0x40: {  	_ =	shalt  }
0x41: {  	_ =	shalt  }
0x42: {  	_ =	shalt  }
0x43: {  	_ =	shalt  }
0x44: {  	_ =	shalt  }
0x45: {  	_ =	shalt  }
0x46: {  	_ =	shalt  }
0x47: {  	_ =	shalt  }
0x48: {  	_ =	shalt  }
0x49: {  	_ =	shalt  }
0x4a: {  	_ =	shalt  }
0x4b: {  	_ =	shalt  }
0x4c: {  	_ =	shalt  }
0x4d: {  	_ =	shalt  }
0x4e: {  	_ =	shalt  }
0x4f: {  	_ =	shalt  }
0x50: {  	_ =	shalt  }
0x51: {  	_ =	shalt  }
0x52: {  	_ =	shalt  }
0x53: {  	_ =	shalt  }
0x54: {  	_ =	shalt  }
0x55: {  	_ =	shalt  }
0x56: {  	_ =	shalt  }
0x57: {  	_ =	shalt  }
0x58: {  	_ =	shalt  }
0x59: {  	_ =	shalt  }
0x5a: {  	_ =	shalt  }
0x5b: {  	_ =	shalt  }
0x5c: {  	_ =	shalt  }
0x5d: {  	_ =	shalt  }
0x5e: {  	_ =	shalt  }
0x5f: {  	_ =	shalt  }
0x60: {  	_ =	shalt  }
0x61: {  	_ =	shalt  }
0x62: {  	_ =	shalt  }
0x63: {  	_ =	shalt  }
0x64: {  	_ =	shalt  }
0x65: {  	_ =	shalt  }
0x66: {  	_ =	shalt  }
0x67: {  	_ =	shalt  }
0x68: {  	_ =	shalt  }
0x69: {  	_ =	shalt  }
0x6a: {  	_ =	shalt  }
0x6b: {  	_ =	shalt  }
0x6c: {  	_ =	shalt  }
0x6d: {  	_ =	shalt  }
0x6e: {  	_ =	shalt  }
0x6f: {  	_ =	shalt  }
0x70: {  	_ =	shalt  }
0x71: {  	_ =	shalt  }
0x72: {  	_ =	shalt  }
0x73: {  	_ =	shalt  }
0x74: {  	_ =	shalt  }
0x75: {  	_ =	shalt  }
0x76: {  	_ =	shalt  }
0x77: {  	_ =	shalt  }
0x78: {  	_ =	shalt  }
0x79: {  	_ =	shalt  }
0x7a: {  	_ =	shalt  }
0x7b: {  	_ =	shalt  }
0x7c: {  	_ =	shalt  }
0x7d: {  	_ =	shalt  }
0x7e: {  	_ =	shalt  }
0x7f: {  	_ =	shalt  }
0x80: {  	_ =	shalt  }
0x81: {  	_ =	shalt  }
0x82: {  	_ =	shalt  }
0x83: {  	_ =	shalt  }
0x84: {  	_ =	shalt  }
0x85: {  	_ =	shalt  }
0x86: {  	_ =	shalt  }
0x87: {  	_ =	shalt  }
.Lfunc_end0:
.L_simem_size_0:
called_computation.2_lowered:
.L_overlay_start_0:
0x88: {  	s2 =	sld [smem:$0x3FD9]  }
0x89: {  	s3 =	sld [smem:$0x3FFE];
	_ =	sdelay $0x1  }
0x8a: {  	s1 =	srdreg.scid  }
0x8b: {  	s0 =	sand.u32 $0x1, s1  }
0x8c: {  	s14 =	sshll.u32 s0, $0xA;
	s2 =	sadd.s32 s3, s2  }
0x8d: {  	s2 =	sadd.s32 s2, s14  }
0x8e: {  	[smem:$0x3FC4] =	sst s2  }
0x8f: {  	_ = 	snop  }
0x90: {  	s2 =	sld [smem:$0x3FD0];
	_ =	sdelay $0x1  }
0x91: {  	s15 =	sld [smem:$0x3FC9]  }
0x92: {  	s5 =	simm.s32 $0xB;
	s6 =	simm.s32 $0x10;
	s4 =	sld [smem:$0x3FC8]  }
0x93: {  	[smem:s6], [sflag:s5] =	dma.local [hbm:s2], $0x1  }
0x94: {  	_ =	swait.eq [sflag:s5], $0x1  }
0x95: {  	[sflag:s5] =	ssyncset.done $0x0  }
0x96: {  	s16 =	sld [smem:$0x11];
	[sflag:s5] =	ssyncadd.s32 $0xFFFFFFFF  }
0x97: {  	s17 =	sld [smem:$0x12];
	(tm) =	ssettm $0x1  }
0x98: {  	s18 =	sld [smem:$0x3FFB];
	_ =	sdelay $0x3  }
0x99: {  	_ =	strace s18  }
0x9a: {  	s6 =	sld [smem:$0x3FFC];
	_ =	sdelay $0x3  }
0x9b: {  	_ =	strace s6  }
0x9c: {  	s6 =	sld [smem:$0x3FFD];
	_ =	sdelay $0x3  }
0x9d: {  	_ =	strace s6  }
0x9e: {  	_ =	strace $0x8FFFFFFF  }
0x9f: {  	s19 =	sld [smem:$0x3FDB];
	_ =	sdelay $0x1  }
0xa0: {  	s7 =	simm.s32 $_scs_section_size  }
0xa1: {  	s8 =	simm.s32 $_size__tile_overlayer_lowered;
	s9 =	simm.s32 $_tile_overlayer_lowered  }
0xa2: {  	s22 =	simm.s32 $0x1BFF;
	s21 =	sshll.u32 s9, $0x1;
	s6 =	sadd.s32 s7, s19  }
0xa3: {  	s10 =	simm.s32 $0x0;
	s20 =	sshll.u32 s8, $0x1;
	s8 =	sadd.s32 s21, s6  }
0xa4: {  	[timem:s10], [sflag:s22] =	dma.local [hbm:s8], s20  }
0xa5: {  	_ =	swait.ge [sflag:s22], s20  }
0xa6: {  	s7 =	ssub.s32 $0x0, s20;
	[sflag:s22] =	ssyncset.done $0x0  }
0xa7: {  	[sflag:s22] =	ssyncadd.s32 s7;
	_ =	sdelay $0x1  }
0xa8: {  	s23 =	simm.s32 $0x1B8B  }
0xa9: {  	_ =	swait.ge [sflag:s23], $0x1  }
0xaa: {  	[sflag:s23] =	ssyncset.done $0x0  }
0xab: {  	s25 =	simm.s32 $0x1B8E;
	s24 =	sld [smem:$0x3FFE];
	[sflag:s23] =	ssyncadd.s32 $0xFFFFFFFF  }
0xac: {  	s26 =	simm.s32 $execute0_lowered;
	[smem:$0x3FD2] =	sst s25  }
0xad: {  	s8 =	sshll.u32 s26, $0x1;
	_ =	strace $0x80000046;
	[dreg:$0x1] =	wrdreg $0xFFFFFFFF  }
0xae: {  	s28 =	simm.s32 $_size_execute0_lowered;
	s6 =	sadd.s32 s6, s8;
	[dreg:$0x0] =	wrdreg $0x0  }
0xaf: {  	s8 =	sshll.u32 s28, $0x1;
	[dreg:$0x2] =	wrdreg s6  }
0xb0: {  	[dreg:$0x3] =	wrdreg s8  }
0xb1: {  	[dreg:$0x4] =	wrdreg $0xC0  }
0xb2: {  	_ =	task [dreg:s10], $0x5FFFF  }
0xb3: {  	[dreg:$0x1] =	wrdreg $0xFFFFFFFF  }
0xb4: {  	[dreg:$0x0] =	wrdreg $0x60  }
0xb5: {  	[dreg:$0x2] =	wrdreg s15  }
0xb6: {  	[dreg:$0x3] =	wrdreg s4  }
0xb7: {  	[dreg:$0x4] =	wrdreg s24  }
0xb8: {  	[dreg:$0x5] =	wrdreg s16  }
0xb9: {  	[dreg:$0x6] =	wrdreg s17  }
0xba: {  	[dreg:$0x7] =	wrdreg $0x9  }
0xbb: {  	_ =	task.clear_ibuf [dreg:s10], $0x8FFFF;
	_ =	strace $0x90000046  }
0xbc: {  	s29 =	simm.s32 $0x9;
	_ =	strace $0x80000048  }
0xbd: {  	_ =	swait.ge [sflag:s29], $0x1  }
0xbe: {  	[sflag:s29] =	ssyncadd.s32 $0xFFFFFFFF  }
0xbf: {  	_ =	strace $0x90000048  }
0xc0: {  	_ =	sfence  }
0xc1: {  	s30 =	sld [smem:$0x0];
	_ =	sdelay $0x2  }
0xc2: {  	s31 =	sshll.u32 s1, $0xD;
	s1 =	sshrl.u32 s1, $0x2  }
0xc3: {  	s3 =	sand.u32 $0x4000, s31;
	s1 =	sadd.s32 s1, s30  }
0xc4: {  	s0 =	sor.u32 s3, s0;
	s1 =	sshll.u32 s1, $0x11  }
0xc5: {  	s0 =	sor.u32 s1, s0  }
0xc6: {  	s0 =	sadd.s32 $0x8F2B, s0  }
0xc7: {  	[sflag:s0] =	ssyncadd.remote.s32 $0x1  }
0xc8: {  	_ =	sfence.sel $0xFFFF  }
0xc9: {  	[dreg:$0x0] =	wrdreg $0xFFFFFFFF;
	(pc) =	sbr.abs _section_cstart, $3  }
0xca: {  	[dreg:$0x1] =	wrdreg $0xFFFFFFFF  }
0xcb: {  	_ =	task.clear_ibuf [dreg:s10], $0x2FFFF;
	_ =	strace $0x9FFFFFFF  }
0xcc: {  	(tm) =	ssettm $0x7FFFFFFF  }
0xcd: {  	_ =	shalt  }
tec
execute0_lowered:
.L_overlay_start_1:
0x0: {  	(tag) =	ssettag $0x1  }
0x1: {  	s1 =	rddreg [dreg:$0x0]  }
0x2: {  	s2 =	rddreg [dreg:$0x1]  }
0x3: {  	s9 =	rddreg [dreg:$0x2]  }
0x4: {  	s3 =	rddreg [dreg:$0x3]  }
0x5: {  	s5 =	rddreg [dreg:$0x4]  }
0x6: {  	s0 =	rddreg [dreg:$0x5];
	s6 =	simm.s32 $0x0;
	s7 =	srdreg.scid  }
0x7: {  	s4 =	stileid.u32;
	s13 =	simm.s32 $0x800;
	s14 =	simm.s32 $0x1  }
0x8: {  	s15 =	simm.s32 $0x10800;
	s16 =	simm.s32 $0x0;
	[smem:$0x7FF] =	sst s6  }
0x9: {  	s8 =	sand.u32 $0x1, s7;
	s30 =	sshll.u32 s4, $0x1;
	s7 =	sadd.s32 $0xF43200, s9  }
0xa: {  	_ =	strace $0x80000047;
	s10 =	sor.u32 s8, s30;
	s12 =	ssub.s32 $0x2, s8  }
0xb: {  	s8 =	sadd.s32 $0x1313C00, s9;
	s11 =	sshll.u32 s10, $0x1;
	s31 =	sshrl.u32 s12, $0x1  }
0xc: {  	s11 =	sadd.s32 s11, s9;
	s12 =	ssub.s32 s12, s31;
	s9 =	smul.u32 $0x2800, s10  }
0xd: {  	s10 =	sadd.s32 $0xE00, s11;
	s11 =	smax.u32 s12, $0x1;
	s12 =	simm.s32 $0x2  }
.LBB2_1:
0xe: {  	v0 =	vimm.f32 $0.0e+00;
	v1 =	vimm.f32 $0.0e+00;
	s17 =	simm.s32 $0x0  }
.LBB2_2:
0xf: {  	s18 =	sshll.u32 s17, $0xB  }
0x10: {  	s18 =	sadd.s32 s9, s18  }
0x11: {  	s19 =	sshrl.u32 s18, $0x3  }
0x12: {  	s19 =	sadd.s32 s1, s19  }
0x13: {  	[tilespmem:s6], [sflag:$0x2] =	stream.linear.gather [hbm4b:s19+s6], $0x800, $0x38;
	[tilespmem:$0x10810] =	vst v63  }
0x14: {  	_ =	swait.ge [sflag:s12], $0x800  }
0x15: {  	[sflag:s12] =	ssyncset.done $0x0  }
0x16: {  	[sflag:s12] =	ssyncadd.s32 $0xFFFFF800  }
0x17: {  	[tilespmem:s13], [sflag:$0x1] =	stream.indirect.gather [hbm4b:s7+s13], $0x20, s6, s13, $0xb8;
	[tilespmem:$0x10810] =	vst v63  }
0x18: {  	_ =	swait.ge [sflag:s14], $0x10000  }
0x19: {  	s18 =	sshll.u32 s18, $0x2;
	[sflag:s14] =	ssyncset.done $0x0  }
0x1a: {  	s18 =	sadd.s32 s3, s18;
	[sflag:s14] =	ssyncadd.s32 $0xFFFF0000  }
0x1b: {  	[hbm4b:s18+s6] =	stream.linear.scatter [tilespmem:s13], [sflag:$0x2], $0x10000, $0x38;
	[tilespmem:$0x10810] =	vst v63  }
0x1c: {  	_ =	swait.ge [sflag:s12], $0x10000  }
0x1d: {  	[sflag:s12] =	ssyncset.done $0x0  }
0x1e: {  	s31 =	simm.s32 $0x880;
	[sflag:s12] =	ssyncadd.s32 $0xFFFF0000  }
0x1f: {  	v2 =	vld [tilespmem:s31+$0xFFFFFF80]  }
0x20: {  	v3 =	vld [tilespmem:s31+$0xFFFFFF90]  }
0x21: {  	v4 =	vld [tilespmem:s31+$0xFFFFFFA0]  }
0x22: {  	v5 =	vld [tilespmem:s31+$0xFFFFFFB0]  }
0x23: {  	v6 =	vld [tilespmem:s31+$0xFFFFFFC0]  }
0x24: {  	v7 =	vld [tilespmem:s31+$0xFFFFFFD0]  }
0x25: {  	v8 =	vld [tilespmem:s31+$0xFFFFFFE0];
	v1 =	vadd.f32 v2, v1;
	v0 =	vadd.f32 v3, v0  }
0x26: {  	v2 =	vld [tilespmem:s31+$0xFFFFFFF0]  }
0x27: {  	v9 =	vld [tilespmem:s31+$0x0];
	v1 =	vadd.f32 v4, v1;
	v3 =	vadd.f32 v5, v0  }
0x28: {  	v5 =	vld [tilespmem:s31+$0x10]  }
0x29: {  	v0 =	vld [tilespmem:s31+$0x20];
	v4 =	vadd.f32 v6, v1;
	v6 =	vadd.f32 v7, v3  }
0x2a: {  	v3 =	vld [tilespmem:s31+$0x30]  }
0x2b: {  	v1 =	vld [tilespmem:s31+$0x40];
	v7 =	vadd.f32 v8, v4;
	v8 =	vadd.f32 v2, v6  }
0x2c: {  	v4 =	vld [tilespmem:s31+$0x50]  }
0x2d: {  	v2 =	vld [tilespmem:s31+$0x60];
	v6 =	vadd.f32 v9, v7;
	v7 =	vadd.f32 v5, v8  }
0x2e: {  	s19 =	simm.s32 $0x980;
	s18 =	simm.s32 $0x0;
	v5 =	vld [tilespmem:s31+$0x70]  }
.LBB2_3:
0x2f: {  	v8 =	vld [tilespmem:s19+$0xFFFFFF80];
	v0 =	vadd.f32 v0, v6;
	v3 =	vadd.f32 v3, v7  }
0x30: {  	s18 =	sadd.s32 $0x8, s18;
	v6 =	vld [tilespmem:s19+$0xFFFFFF90]  }
0x31: {  	p0 =	slt.u32 s18, $0x7F8;
	v7 =	vld [tilespmem:s19+$0xFFFFFFA0];
	v0 =	vadd.f32 v1, v0;
	v1 =	vadd.f32 v4, v3  }
0x32: {  	v3 =	vld [tilespmem:s19+$0xFFFFFFB0]  }
0x33: {  	v4 =	vld [tilespmem:s19+$0xFFFFFFC0];
	v0 =	vadd.f32 v2, v0;
	v1 =	vadd.f32 v5, v1  }
0x34: {  	v2 =	vld [tilespmem:s19+$0xFFFFFFD0]  }
0x35: {  	v0 =	vadd.f32 v8, v0;
	v1 =	vadd.f32 v6, v1;
	v5 =	vld [tilespmem:s19+$0xFFFFFFE0]  }
0x36: {  	v6 =	vld [tilespmem:s19+$0xFFFFFFF0]  }
0x37: {  	v0 =	vadd.f32 v7, v0;
	v1 =	vadd.f32 v3, v1;
	v7 =	vld [tilespmem:s19+$0x0]  }
0x38: {  	v8 =	vld [tilespmem:s19+$0x10]  }
0x39: {  	v4 =	vadd.f32 v4, v0;
	v1 =	vadd.f32 v2, v1;
	v0 =	vld [tilespmem:s19+$0x20]  }
.Ltmp0:
0x3a: {  	v3 =	vld [tilespmem:s19+$0x30];
	(pc) =	sbr.rel @p0 .LBB2_3-.Ltmp0, $4  }
0x3b: {  	v2 =	vadd.f32 v5, v4;
	v5 =	vadd.f32 v6, v1;
	v1 =	vld [tilespmem:s19+$0x40]  }
0x3c: {  	v4 =	vld [tilespmem:s19+$0x50]  }
0x3d: {  	v6 =	vadd.f32 v7, v2;
	v7 =	vadd.f32 v8, v5;
	v2 =	vld [tilespmem:s19+$0x60]  }
0x3e: {  	v5 =	vld [tilespmem:s19+$0x70];
	s19 =	sadd.s32 $0x100, s19  }
0x3f: {  	s17 =	sadd.s32 $0x1, s17  }
0x40: {  	p0 =	sne.s32 s17, $0x5  }
.Ltmp1:
0x41: {  	v0 =	vadd.f32 v0, v6;
	v3 =	vadd.f32 v3, v7;
	(pc) =	sbr.rel @p0 .LBB2_2-.Ltmp1, $3  }
0x42: {  	_ = 	snop  }
0x43: {  	v0 =	vadd.f32 v1, v0;
	v3 =	vadd.f32 v4, v3;
	_ =	sdelay $0x1  }
0x44: {  	v1 =	vadd.f32 v2, v0;
	v0 =	vadd.f32 v5, v3  }
0x45: {  	s17 =	simm.s32 $0x0  }
.LBB2_6:
0x46: {  	s18 =	sshll.u32 s17, $0xB  }
0x47: {  	s18 =	sadd.s32 s9, s18  }
0x48: {  	s19 =	sshrl.u32 s18, $0x3  }
0x49: {  	s19 =	sadd.s32 s2, s19  }
0x4a: {  	[tilespmem:s6], [sflag:$0x2] =	stream.linear.gather [hbm4b:s19+s6], $0x800, $0x38;
	[tilespmem:$0x10810] =	vst v63  }
0x4b: {  	_ =	swait.ge [sflag:s12], $0x800  }
0x4c: {  	[sflag:s12] =	ssyncset.done $0x0  }
0x4d: {  	[sflag:s12] =	ssyncadd.s32 $0xFFFFF800  }
0x4e: {  	[tilespmem:s13], [sflag:$0x1] =	stream.indirect.gather [hbm4b:s8+s13], $0x20, s6, s13, $0xb8;
	[tilespmem:$0x10810] =	vst v63  }
0x4f: {  	_ =	swait.ge [sflag:s14], $0x10000  }
0x50: {  	s18 =	sshll.u32 s18, $0x2;
	[sflag:s14] =	ssyncset.done $0x0  }
0x51: {  	s18 =	sadd.s32 s5, s18;
	[sflag:s14] =	ssyncadd.s32 $0xFFFF0000  }
0x52: {  	[hbm4b:s18+s6] =	stream.linear.scatter [tilespmem:s13], [sflag:$0x2], $0x10000, $0x38;
	[tilespmem:$0x10810] =	vst v63  }
0x53: {  	_ =	swait.ge [sflag:s12], $0x10000  }
0x54: {  	[sflag:s12] =	ssyncset.done $0x0  }
0x55: {  	s31 =	simm.s32 $0x880;
	[sflag:s12] =	ssyncadd.s32 $0xFFFF0000  }
0x56: {  	v2 =	vld [tilespmem:s31+$0xFFFFFF80]  }
0x57: {  	v3 =	vld [tilespmem:s31+$0xFFFFFF90]  }
0x58: {  	v4 =	vld [tilespmem:s31+$0xFFFFFFA0]  }
0x59: {  	v5 =	vld [tilespmem:s31+$0xFFFFFFB0]  }
0x5a: {  	v6 =	vld [tilespmem:s31+$0xFFFFFFC0]  }
0x5b: {  	v7 =	vld [tilespmem:s31+$0xFFFFFFD0]  }
0x5c: {  	v8 =	vld [tilespmem:s31+$0xFFFFFFE0];
	v1 =	vadd.f32 v2, v1;
	v0 =	vadd.f32 v3, v0  }
0x5d: {  	v2 =	vld [tilespmem:s31+$0xFFFFFFF0]  }
0x5e: {  	v9 =	vld [tilespmem:s31+$0x0];
	v1 =	vadd.f32 v4, v1;
	v3 =	vadd.f32 v5, v0  }
0x5f: {  	v5 =	vld [tilespmem:s31+$0x10]  }
0x60: {  	v0 =	vld [tilespmem:s31+$0x20];
	v4 =	vadd.f32 v6, v1;
	v6 =	vadd.f32 v7, v3  }
0x61: {  	v3 =	vld [tilespmem:s31+$0x30]  }
0x62: {  	v1 =	vld [tilespmem:s31+$0x40];
	v7 =	vadd.f32 v8, v4;
	v8 =	vadd.f32 v2, v6  }
0x63: {  	v4 =	vld [tilespmem:s31+$0x50]  }
0x64: {  	v2 =	vld [tilespmem:s31+$0x60];
	v6 =	vadd.f32 v9, v7;
	v7 =	vadd.f32 v5, v8  }
0x65: {  	s19 =	simm.s32 $0x980;
	s18 =	simm.s32 $0x0;
	v5 =	vld [tilespmem:s31+$0x70]  }
.LBB2_7:
0x66: {  	v8 =	vld [tilespmem:s19+$0xFFFFFF80];
	v0 =	vadd.f32 v0, v6;
	v3 =	vadd.f32 v3, v7  }
0x67: {  	s18 =	sadd.s32 $0x8, s18;
	v6 =	vld [tilespmem:s19+$0xFFFFFF90]  }
0x68: {  	p0 =	slt.u32 s18, $0x7F8;
	v7 =	vld [tilespmem:s19+$0xFFFFFFA0];
	v0 =	vadd.f32 v1, v0;
	v1 =	vadd.f32 v4, v3  }
0x69: {  	v3 =	vld [tilespmem:s19+$0xFFFFFFB0]  }
0x6a: {  	v4 =	vld [tilespmem:s19+$0xFFFFFFC0];
	v0 =	vadd.f32 v2, v0;
	v1 =	vadd.f32 v5, v1  }
0x6b: {  	v2 =	vld [tilespmem:s19+$0xFFFFFFD0]  }
0x6c: {  	v0 =	vadd.f32 v8, v0;
	v1 =	vadd.f32 v6, v1;
	v5 =	vld [tilespmem:s19+$0xFFFFFFE0]  }
0x6d: {  	v6 =	vld [tilespmem:s19+$0xFFFFFFF0]  }
0x6e: {  	v0 =	vadd.f32 v7, v0;
	v1 =	vadd.f32 v3, v1;
	v7 =	vld [tilespmem:s19+$0x0]  }
0x6f: {  	v8 =	vld [tilespmem:s19+$0x10]  }
0x70: {  	v4 =	vadd.f32 v4, v0;
	v1 =	vadd.f32 v2, v1;
	v0 =	vld [tilespmem:s19+$0x20]  }
.Ltmp2:
0x71: {  	v3 =	vld [tilespmem:s19+$0x30];
	(pc) =	sbr.rel @p0 .LBB2_7-.Ltmp2, $4  }
0x72: {  	v2 =	vadd.f32 v5, v4;
	v5 =	vadd.f32 v6, v1;
	v1 =	vld [tilespmem:s19+$0x40]  }
0x73: {  	v4 =	vld [tilespmem:s19+$0x50]  }
0x74: {  	v6 =	vadd.f32 v7, v2;
	v7 =	vadd.f32 v8, v5;
	v2 =	vld [tilespmem:s19+$0x60]  }
0x75: {  	v5 =	vld [tilespmem:s19+$0x70];
	s19 =	sadd.s32 $0x100, s19  }
0x76: {  	s17 =	sadd.s32 $0x1, s17  }
0x77: {  	p0 =	sne.s32 s17, $0x5  }
.Ltmp3:
0x78: {  	v0 =	vadd.f32 v0, v6;
	v3 =	vadd.f32 v3, v7;
	(pc) =	sbr.rel @p0 .LBB2_6-.Ltmp3, $3  }
0x79: {  	_ = 	snop  }
0x7a: {  	v0 =	vadd.f32 v1, v0;
	v3 =	vadd.f32 v4, v3;
	_ =	sdelay $0x1  }
0x7b: {  	v1 =	vadd.f32 v2, v0;
	v0 =	vadd.f32 v5, v3  }
0x7c: {  	_ = 	snop  }
0x7d: {  	s16 =	sadd.s32 $0x1, s16;
	v0 =	vadd.f32 v0, v1  }
0x7e: {  	p0 =	sne.s32 s16, s11  }
.Ltmp4:
0x7f: {  	[tilespmem:$0x10800] =	vst v0;
	(pc) =	sbr.rel @p0 .LBB2_1-.Ltmp4, $4  }
0x80: {  	[hbm4b:s10+s6] =	stream.linear.scatter [tilespmem:s15], [sflag:$0x2], $0x10, $0x38;
	[tilespmem:$0x10810] =	vst v63  }
0x81: {  	_ =	swait.ge [sflag:s12], $0x10  }
0x82: {  	[sflag:s12] =	ssyncset.done $0x0  }
0x83: {  	[sflag:s12] =	ssyncadd.s32 $0xFFFFFFF0  }
0x84: {  	_ =	sfence.sel $0x180000  }
0x85: {  	[bflag:$0x0] =	sbarrier.arrive $0xFFFF  }
0x86: {  	p0 =	sne.s32 s4, $0x0;
	_ =	strace $0x90000047  }
0x87: {  	s0 =	sadd.s32 @!p0 $0x100000, s0;
	[bflag:$0x2] =	sbarrier.arrive $0xFFFF  }
0x88: {  	[sflag:s0] =	ssyncadd.tile.s32 @!p0 $0x1;
	_ =	shalt  }
.Lfunc_end2:
_tile_overlayer_lowered:
.L_overlay_start_2:
0x89: {  	(tag) =	ssettag $0x2  }
0x8a: {  	s0 =	rddreg [dreg:$0x0];
	s2 =	stileid.u32  }
0x8b: {  	s1 =	rddreg [dreg:$0x1];
	p0 =	sne.s32 s2, $0x0  }
0x8c: {  	s3 =	rddreg [dreg:$0x2];
	[bflag:$0x3] =	sbarrier.arrive $0xFFFF;
	s2 =	simm.s32 @!p0 $0x1C02  }
0x8d: {  	[timem:s3], [sflag:s2] =	dma.local @!p0 [hbm:s0], s1  }
0x8e: {  	s0 =	simm.s32 @!p0 $0x2  }
0x8f: {  	_ =	swait.ge @!p0 [sflag:s0], s1  }
0x90: {  	s1 =	ssub.s32 @!p0 $0x0, s1;
	[sflag:s0] =	ssyncset.done @!p0 $0x0  }
0x91: {  	[sflag:s0] =	ssyncadd.s32 @!p0 s1  }
0x92: {  	[bflag:$0x3] =	sbarrier.arrive $0xFFFF  }
0x93: {  	_ =	shalt  }

// kernel: sparse-core-data-format-call.1.cloned.1.call-start
scs
called_computation.1_lowered:
.L_overlay_start_0:
0x0: {  	s2 =	sld [smem:$0x3FD9]  }
0x1: {  	s3 =	sld [smem:$0x3FFE];
	_ =	sdelay $0x1  }
0x2: {  	s1 =	srdreg.scid  }
0x3: {  	s0 =	sand.u32 $0x1, s1  }
0x4: {  	s15 =	sshll.u32 s0, $0xA;
	s2 =	sadd.s32 s3, s2  }
0x5: {  	s2 =	sadd.s32 s2, s15  }
0x6: {  	[smem:$0x3FC4] =	sst s2  }
0x7: {  	_ = 	snop  }
0x8: {  	s2 =	sld [smem:$0x3FD0];
	_ =	sdelay $0x2  }
0x9: {  	s16 =	simm.s32 $0xB;
	s4 =	simm.s32 $0x10  }
0xa: {  	[smem:s4], [sflag:s16] =	dma.local [hbm:s2], $0x1  }
0xb: {  	_ =	swait.eq [sflag:s16], $0x1  }
0xc: {  	[sflag:s16] =	ssyncset.done $0x0  }
0xd: {  	[sflag:s16] =	ssyncadd.s32 $0xFFFFFFFF  }
0xe: {  	s17 =	sld [smem:$0x11];
	(tm) =	ssettm $0x1  }
0xf: {  	s18 =	sld [smem:$0x3FFB];
	_ =	sdelay $0x3  }
0x10: {  	_ =	strace s18  }
0x11: {  	s3 =	sld [smem:$0x3FFC];
	_ =	sdelay $0x3  }
0x12: {  	_ =	strace s3  }
0x13: {  	s3 =	sld [smem:$0x3FFD];
	_ =	sdelay $0x3  }
0x14: {  	_ =	strace s3  }
0x15: {  	_ =	strace $0x8FFFFFFF  }
0x16: {  	s19 =	sld [smem:$0x3FDB];
	_ =	sdelay $0x1  }
0x17: {  	s20 =	simm.s32 $_scs_section_size  }
0x18: {  	s5 =	simm.s32 $_size__tile_overlayer_lowered;
	s6 =	simm.s32 $_tile_overlayer_lowered  }
0x19: {  	s23 =	simm.s32 $0x1BFF;
	s22 =	sshll.u32 s6, $0x1;
	s3 =	sadd.s32 s20, s19  }
0x1a: {  	s7 =	simm.s32 $0x0;
	s21 =	sshll.u32 s5, $0x1;
	s5 =	sadd.s32 s22, s3  }
0x1b: {  	[timem:s7], [sflag:s23] =	dma.local [hbm:s5], s21  }
0x1c: {  	_ =	swait.ge [sflag:s23], s21  }
0x1d: {  	s4 =	ssub.s32 $0x0, s21;
	[sflag:s23] =	ssyncset.done $0x0  }
0x1e: {  	[sflag:s23] =	ssyncadd.s32 s4;
	_ =	sdelay $0x1  }
0x1f: {  	s24 =	simm.s32 $0x1B8B  }
0x20: {  	_ =	swait.ge [sflag:s24], $0x1  }
0x21: {  	[sflag:s24] =	ssyncset.done $0x0  }
0x22: {  	s26 =	simm.s32 $0x1B8E;
	s25 =	sld [smem:$0x3FFE];
	[sflag:s24] =	ssyncadd.s32 $0xFFFFFFFF  }
0x23: {  	s27 =	simm.s32 $execute0_lowered;
	[smem:$0x3FD2] =	sst s26  }
0x24: {  	s5 =	sshll.u32 s27, $0x1;
	_ =	strace $0x80000049;
	[dreg:$0x1] =	wrdreg $0xFFFFFFFF  }
0x25: {  	s28 =	simm.s32 $_size_execute0_lowered;
	s3 =	sadd.s32 s3, s5;
	[dreg:$0x0] =	wrdreg $0x0  }
0x26: {  	s5 =	sshll.u32 s28, $0x1;
	[dreg:$0x2] =	wrdreg s3  }
0x27: {  	[dreg:$0x3] =	wrdreg s5  }
0x28: {  	[dreg:$0x4] =	wrdreg $0xC0  }
0x29: {  	_ =	task [dreg:s7], $0x5FFFF  }
0x2a: {  	[dreg:$0x1] =	wrdreg $0xFFFFFFFF  }
0x2b: {  	[dreg:$0x0] =	wrdreg $0x60  }
0x2c: {  	[dreg:$0x2] =	wrdreg s25  }
0x2d: {  	[dreg:$0x3] =	wrdreg s17  }
0x2e: {  	[dreg:$0x4] =	wrdreg $0xA  }
0x2f: {  	_ =	task.clear_ibuf [dreg:s7], $0x5FFFF;
	_ =	strace $0x90000049  }
0x30: {  	s29 =	simm.s32 $0xA;
	_ =	strace $0x8000004B  }
0x31: {  	_ =	swait.ge [sflag:s29], $0x1  }
0x32: {  	[sflag:s29] =	ssyncadd.s32 $0xFFFFFFFF  }
0x33: {  	_ =	strace $0x9000004B  }
0x34: {  	_ =	sfence  }
0x35: {  	s30 =	sld [smem:$0x0];
	_ =	sdelay $0x2  }
0x36: {  	s31 =	sshll.u32 s1, $0xD;
	s1 =	sshrl.u32 s1, $0x2  }
0x37: {  	s3 =	sand.u32 $0x4000, s31;
	s1 =	sadd.s32 s1, s30  }
0x38: {  	s0 =	sor.u32 s3, s0;
	s1 =	sshll.u32 s1, $0x11  }
0x39: {  	s0 =	sor.u32 s1, s0  }
0x3a: {  	s0 =	sadd.s32 $0x8F2B, s0  }
0x3b: {  	[sflag:s0] =	ssyncadd.remote.s32 $0x1  }
0x3c: {  	_ =	sfence.sel $0xFFFF  }
0x3d: {  	[dreg:$0x0] =	wrdreg $0xFFFFFFFF;
	(pc) =	sbr.abs _section_cstart, $3  }
0x3e: {  	[dreg:$0x1] =	wrdreg $0xFFFFFFFF  }
0x3f: {  	_ =	task.clear_ibuf [dreg:s7], $0x2FFFF;
	_ =	strace $0x9FFFFFFF  }
0x40: {  	(tm) =	ssettm $0x7FFFFFFF  }
0x41: {  	_ =	shalt  }
tec
execute0_lowered:
.L_overlay_start_1:
0x0: {  	(tag) =	ssettag $0x1  }
0x1: {  	s0 =	srdreg.scid  }
0x2: {  	s1 =	sshll.u32 s0, $0x4  }
0x3: {  	s4 =	rddreg [dreg:$0x0];
	s0 =	stileid.u32;
	s1 =	sand.u32 $0x10, s1  }
0x4: {  	s2 =	rddreg [dreg:$0x1];
	s7 =	simm.s32 $0x1;
	s1 =	sor.u32 s0, s1  }
0x5: {  	s8 =	simm.s32 $0x2;
	s11 =	simm.s32 $0x0;
	s3 =	sshll.u32 s1, $0x7  }
0x6: {  	s10 =	simm.s32 $0x0;
	s4 =	sadd.s32 $0x1000, s4;
	s6 =	ssub.s32 $0x50000, s3  }
.Ltmp0:
0x7: {  	s1 =	rddreg [dreg:$0x2];
	s5 =	sand.u32 $0xF80, s6;
	(pc) =	sbr.rel .LBB1_1-.Ltmp0, $4  }
0x8: {  	_ =	strace $0x8000004A;
	s9 =	smov.u32 s3;
	p0 =	sne.s32 s5, $0x0  }
0x9: {  	s6 =	sshrl.u32 s6, $0xC;
	s5 =	simm.s32 $0x1;
	s7 =	simm.s32 @!p0 $0x0  }
0xa: {  	[sflag:s5] =	ssyncpa.u1 $0x0;
	p0 =	por $0x0, $0x0;
	s6 =	sadd.s32 s7, s6  }
0xb: {  	[sflag:s8] =	ssyncpa.u1 $0x0;
	s8 =	simm.s32 $0x280000;
	s7 =	sadd.s32 $0x1, s6  }
.LBB1_4:
0xc: {  	s14 =	sshll.u32 s11, $0x3  }
0xd: {  	s30 =	sand.u32 $0x7F, s11;
	s15 =	sand.u32 $0xFFFFFC00, s14  }
0xe: {  	s11 =	sor.u32 s30, s15  }
0xf: {  	s15 =	smulhi.u32 $0xCCCCCCCD, s11  }
0x10: {  	s14 =	smulhi.u32 $0xCCCCCCCD, s14  }
0x11: {  	s15 =	sshrl.u32 s15, $0x12  }
0x12: {  	s14 =	sshrl.u32 s14, $0x12;
	s15 =	smul.u32 $0x50000, s15  }
0x13: {  	s14 =	sand.u32 $0x1F, s14  }
0x14: {  	s14 =	smul.u32 $0xA000, s14;
	s11 =	ssub.s32 s11, s15  }
0x15: {  	s15 =	sand.u32 $0x7, s11  }
0x16: {  	s14 =	sadd.s32 s2, s14;
	s11 =	sshrl.u32 s11, $0x3;
	s15 =	sshll.u32 s15, $0x12  }
0x17: {  	[tilespmem:s13+$0x0 ss:$0x81] =	vst.msk $0xffff, v0;
	s11 =	sadd.s32 s11, s14;
	s31 =	sor.u32 $0x400, s15  }
0x18: {  	[hbm4b:s11+s31] =	stream.strided.scatter [tilespmem:s12], [sflag:$0x2], $0x1000, s8, s31, $0x20;
	[tilespmem:$0x4040] =	vst v63  }
.LBB1_5:
0x19: {  	s13 =	sadd.s32 $0x1000, s9  }
0x1a: {  	p2 =	sgt.s32 s13, $0x4FFFF  }
0x1b: {  	s13 =	smov.u32 @p2 s3;
	p2 =	sne.s32 s10, s7  }
.Ltmp1:
0x1c: {  	p1 =	slt.u32 s10, $0x2;
	(pc) =	sbr.rel @!p2 .LBB1_6-.Ltmp1, $4  }
0x1d: {  	s12 =	simm.s32 @!p1 $0x2  }
0x1e: {  	s14 =	sadd.s32 $0x1, s10;
	_ =	swait.ge @!p1 [sflag:s12], $0x1000  }
0x1f: {  	s11 =	smov.u32 s9;
	p0 =	por !p0, !p0;
	[sflag:s12] =	ssyncset.done @!p1 $0x0  }
0x20: {  	s10 =	smov.u32 s14;
	s9 =	smov.u32 s13;
	[sflag:s12] =	ssyncadd.s32 @!p1 $0xFFFFF000  }
.LBB1_1:
0x21: {  	p1 =	sge.u32 s10, s6  }
0x22: {  	s12 =	sand.u32 @!p1 $0x1FFFFFF, s9  }
0x23: {  	s13 =	smulhi.u32 @!p1 $0xCCCCCD, s12;
	_ =	sdelay $0x1  }
0x24: {  	s13 =	sshrl.u32 @!p1 s13, $0xA  }
0x25: {  	s13 =	smul.u32 @!p1 $0x50000, s13;
	_ =	sdelay $0x1  }
0x26: {  	s31 =	sadd.s32 $0xFFFFFFFF, s10;
	s14 =	sxor.u32 @!p1 $0xFFFFFFFF, s10;
	s12 =	ssub.s32 @!p1 s12, s13  }
0x27: {  	s15 =	simm.s32 @!p1 $0x80;
	s14 =	sshll.u32 @!p1 s14, $0xC;
	s12 =	sshll.u32 @!p1 s12, $0x4  }
0x28: {  	s13 =	sand.u32 @!p1 $0x1000, s14;
	s14 =	simm.s32 @!p1 $0x20;
	s12 =	sadd.s32 @!p1 s4, s12  }
0x29: {  	[tilespmem:s13], [sflag:$0x1] =	stream.strided.gather @!p1 [hbm4b:s12+s14], $0x1000, s15, s14, $0x38;
	[tilespmem:$0x4040] =	vst v63  }
0x2a: {  	p1 =	sge.u32 s31, s6  }
.Ltmp2:
0x2b: {  	_ = 	snop;
	(pc) =	sbr.rel @p1 .LBB1_5-.Ltmp2, $1  }
0x2c: {  	_ =	sdelay $0x3  }
0x2d: {  	s12 =	simm.s32 $0x1  }
0x2e: {  	_ =	swait.ge [sflag:s5], $0x1000;
	s12 =	simm.s32 @!p0 $0x0  }
0x2f: {  	[sflag:s5] =	ssyncset.done $0x0;
	s13 =	sshll.u32 s12, $0xC  }
0x30: {  	[sflag:s5] =	ssyncadd.s32 $0xFFFFF000;
	s16 =	sor.u32 $0x10, s13  }
0x31: {  	s12 =	smul.u32 $0x4080, s12;
	v1 =	vld [tilespmem:s16+$0x0]  }
0x32: {  	s30 =	sand.u32 $0x1, s10;
	v0 =	vld [tilespmem:s16+$0xFFFFFFF0]  }
0x33: {  	s13 =	smul.u32 $0x4080, s30;
	s12 =	sshrl.u32 s12, $0x2  }
0x34: {  	s14 =	sor.u32 $0x2000, s12  }
0x35: {  	s31 =	sshrl.u32 s13, $0x2;
	s13 =	sadd.s32 $0x0, s14  }
0x36: {  	s15 =	simm.s32 $0x4;
	s16 =	sadd.s32 $0x20, s16;
	s12 =	sor.u32 $0x2000, s31;
	[tilespmem:s13+$0x810 ss:$0x81] =	vst.msk $0xffff, v1  }
.LBB1_3:
0x37: {  	v1 =	vld [tilespmem:s16+$0x0];
	p1 =	sne.s32 s15, $0x1FC;
	[tilespmem:s13+$0x0 ss:$0x81] =	vst.msk $0xffff, v0;
	s13 =	smov.u32 s15;
	s15 =	sadd.s32 $0x4, s15  }
.Ltmp3:
0x38: {  	v0 =	vld [tilespmem:s16+$0xFFFFFFF0];
	(pc) =	sbr.rel @p1 .LBB1_3-.Ltmp3, $4  }
0x39: {  	_ = 	snop  }
0x3a: {  	s13 =	sshra.s32 s13, $0x2  }
0x3b: {  	s13 =	sadd.s32 s13, s14  }
0x3c: {  	s16 =	sadd.s32 $0x20, s16;
	[tilespmem:s13+$0x810 ss:$0x81] =	vst.msk $0xffff, v1  }
.Ltmp4:
0x3d: {  	_ = 	snop;
	(pc) =	sbr.rel .LBB1_4-.Ltmp4, $1  }
0x3e: {  	_ =	sdelay $0x3  }
.LBB1_6:
0x3f: {  	_ =	sfence.sel $0x180000  }
0x40: {  	s2 =	simm.s32 $0x1;
	[bflag:$0x0] =	sbarrier.arrive $0xFFFF  }
0x41: {  	s31 =	simm.s32 $0x2;
	[sflag:s2] =	ssyncpa.u1 $0x1  }
0x42: {  	[sflag:s31] =	ssyncpa.u1 $0x1  }
0x43: {  	p0 =	sne.s32 s0, $0x0;
	_ =	strace $0x9000004A  }
0x44: {  	s0 =	sadd.s32 @!p0 $0x100000, s1;
	[bflag:$0x2] =	sbarrier.arrive $0xFFFF  }
0x45: {  	[sflag:s0] =	ssyncadd.tile.s32 @!p0 $0x1;
	_ =	shalt  }
.Lfunc_end1:
_tile_overlayer_lowered:
.L_overlay_start_2:
0x46: {  	(tag) =	ssettag $0x2  }
0x47: {  	s0 =	rddreg [dreg:$0x0];
	s2 =	stileid.u32  }
0x48: {  	s1 =	rddreg [dreg:$0x1];
	p0 =	sne.s32 s2, $0x0  }
0x49: {  	s3 =	rddreg [dreg:$0x2];
	[bflag:$0x3] =	sbarrier.arrive $0xFFFF;
	s2 =	simm.s32 @!p0 $0x1C01  }
0x4a: {  	[timem:s3], [sflag:s2] =	dma.local @!p0 [hbm:s0], s1  }
0x4b: {  	s0 =	simm.s32 @!p0 $0x1  }
0x4c: {  	_ =	swait.ge @!p0 [sflag:s0], s1  }
0x4d: {  	s1 =	ssub.s32 @!p0 $0x0, s1;
	[sflag:s0] =	ssyncset.done @!p0 $0x0  }
0x4e: {  	[sflag:s0] =	ssyncadd.s32 @!p0 s1  }
0x4f: {  	[bflag:$0x3] =	sbarrier.arrive $0xFFFF  }
0x50: {  	_ =	shalt  }

// kernel: sparse-core-data-format-call.cloned.1.call-start
scs
called_computation_lowered:
.L_overlay_start_0:
0x0: {  	s2 =	sld [smem:$0x3FD9]  }
0x1: {  	s3 =	sld [smem:$0x3FFE];
	_ =	sdelay $0x1  }
0x2: {  	s1 =	srdreg.scid  }
0x3: {  	s0 =	sand.u32 $0x1, s1  }
0x4: {  	s16 =	sshll.u32 s0, $0xA;
	s2 =	sadd.s32 s3, s2  }
0x5: {  	s2 =	sadd.s32 s2, s16  }
0x6: {  	[smem:$0x3FC4] =	sst s2  }
0x7: {  	_ = 	snop  }
0x8: {  	s2 =	sld [smem:$0x3FD0];
	_ =	sdelay $0x2  }
0x9: {  	s17 =	simm.s32 $0xB;
	s4 =	simm.s32 $0x10  }
0xa: {  	[smem:s4], [sflag:s17] =	dma.local [hbm:s2], $0x1  }
0xb: {  	_ =	swait.eq [sflag:s17], $0x1  }
0xc: {  	[sflag:s17] =	ssyncset.done $0x0  }
0xd: {  	[sflag:s17] =	ssyncadd.s32 $0xFFFFFFFF  }
0xe: {  	s18 =	sld [smem:$0x12];
	(tm) =	ssettm $0x1  }
0xf: {  	s19 =	sld [smem:$0x3FFB];
	_ =	sdelay $0x3  }
0x10: {  	_ =	strace s19  }
0x11: {  	s2 =	sld [smem:$0x3FFC];
	_ =	sdelay $0x3  }
0x12: {  	_ =	strace s2  }
0x13: {  	s2 =	sld [smem:$0x3FFD];
	_ =	sdelay $0x3  }
0x14: {  	_ =	strace s2  }
0x15: {  	_ =	strace $0x8FFFFFFF  }
0x16: {  	s20 =	sld [smem:$0x3FDB];
	_ =	sdelay $0x1  }
0x17: {  	s21 =	simm.s32 $_scs_section_size  }
0x18: {  	s5 =	simm.s32 $_size__tile_overlayer_lowered;
	s6 =	simm.s32 $_tile_overlayer_lowered  }
0x19: {  	s7 =	simm.s32 $0x1BFF;
	s22 =	sshll.u32 s6, $0x1;
	s4 =	sadd.s32 s21, s20  }
0x1a: {  	s23 =	simm.s32 $0x0;
	s5 =	sshll.u32 s5, $0x1;
	s6 =	sadd.s32 s22, s4  }
0x1b: {  	[timem:s23], [sflag:s7] =	dma.local [hbm:s6], s5  }
0x1c: {  	_ =	swait.ge [sflag:s7], s5  }
0x1d: {  	s5 =	ssub.s32 $0x0, s5;
	[sflag:s7] =	ssyncset.done $0x0  }
0x1e: {  	[sflag:s7] =	ssyncadd.s32 s5;
	_ =	sdelay $0x1  }
0x1f: {  	s24 =	simm.s32 $0x1B8B  }
0x20: {  	_ =	swait.ge [sflag:s24], $0x1  }
0x21: {  	[sflag:s24] =	ssyncset.done $0x0  }
0x22: {  	[sflag:s24] =	ssyncadd.s32 $0xFFFFFFFF  }
0x23: {  	s5 =	sld [smem:$0x0]  }
0x24: {  	s6 =	sand.u32 $0xFFFFFFFE, s1  }
0x25: {  	p0 =	sne.s32 s1, s6  }
0x26: {  	s6 =	sshll.u32 @p0 s6, $0xE  }
0x27: {  	s6 =	sadd.s32 @p0 $0x11B8D, s6;
	s7 =	sshll.u32 @p0 s5, $0x11  }
0x28: {  	s6 =	sor.u32 @p0 s7, s6  }
0x29: {  	[sflag:s6] =	ssyncadd.remote.s32 @p0 $0x1;
	_ =	sdelay $0x1  }
0x2a: {  	s6 =	simm.s32 @p0 $0x1B8D  }
0x2b: {  	_ =	swait.eq @p0 [sflag:s6], $0x1  }
0x2c: {  	[sflag:s6] =	ssyncadd.s32 @p0 $0xFFFFFFFF  }
0x2d: {  	s7 =	sshll.u32 @!p0 s1, $0xE  }
0x2e: {  	s7 =	sor.u32 @!p0 $0x4000, s7;
	s6 =	simm.s32 @!p0 $0x1B8D  }
0x2f: {  	s5 =	sshll.u32 @!p0 s5, $0x11;
	s7 =	sadd.s32 @!p0 $0x11B8D, s7;
	_ =	swait.eq @!p0 [sflag:s6], $0x1  }
0x30: {  	s5 =	sor.u32 @!p0 s5, s7;
	[sflag:s6] =	ssyncadd.s32 @!p0 $0xFFFFFFFF  }
0x31: {  	s26 =	simm.s32 $0x1B8E;
	s25 =	sld [smem:$0x3FFE];
	[sflag:s5] =	ssyncadd.remote.s32 @!p0 $0x1  }
0x32: {  	s27 =	simm.s32 $execute0_lowered;
	[smem:$0x3FD2] =	sst s26  }
0x33: {  	s6 =	sshll.u32 s27, $0x1;
	_ =	strace $0x8000004C;
	[dreg:$0x1] =	wrdreg $0xFFFFFFFF  }
0x34: {  	s28 =	simm.s32 $_size_execute0_lowered;
	s4 =	sadd.s32 s4, s6;
	[dreg:$0x0] =	wrdreg $0x0  }
0x35: {  	s6 =	sshll.u32 s28, $0x1;
	[dreg:$0x2] =	wrdreg s4  }
0x36: {  	[dreg:$0x3] =	wrdreg s6  }
0x37: {  	[dreg:$0x4] =	wrdreg $0xC0  }
0x38: {  	_ =	task [dreg:s23], $0x5FFFF  }
0x39: {  	[dreg:$0x1] =	wrdreg $0xFFFFFFFF  }
0x3a: {  	[dreg:$0x0] =	wrdreg $0x60  }
0x3b: {  	[dreg:$0x2] =	wrdreg s25  }
0x3c: {  	[dreg:$0x3] =	wrdreg s18  }
0x3d: {  	[dreg:$0x4] =	wrdreg $0x9  }
0x3e: {  	_ =	task.clear_ibuf [dreg:s23], $0x5FFFF;
	_ =	strace $0x9000004C  }
0x3f: {  	s29 =	simm.s32 $0x9;
	_ =	strace $0x8000004E  }
0x40: {  	_ =	swait.ge [sflag:s29], $0x1  }
0x41: {  	[sflag:s29] =	ssyncadd.s32 $0xFFFFFFFF  }
0x42: {  	_ =	strace $0x9000004E  }
0x43: {  	_ =	sfence  }
0x44: {  	s30 =	sld [smem:$0x0];
	_ =	sdelay $0x2  }
0x45: {  	s31 =	sshll.u32 s1, $0xD;
	s1 =	sshrl.u32 s1, $0x2  }
0x46: {  	s4 =	sand.u32 $0x4000, s31;
	s1 =	sadd.s32 s1, s30  }
0x47: {  	s0 =	sor.u32 s4, s0;
	s1 =	sshll.u32 s1, $0x11  }
0x48: {  	s0 =	sor.u32 s1, s0  }
0x49: {  	s0 =	sadd.s32 $0x8F2B, s0  }
0x4a: {  	[sflag:s0] =	ssyncadd.remote.s32 $0x1  }
0x4b: {  	_ =	sfence.sel $0xFFFF  }
0x4c: {  	[dreg:$0x0] =	wrdreg $0xFFFFFFFF;
	(pc) =	sbr.abs _section_cstart, $3  }
0x4d: {  	[dreg:$0x1] =	wrdreg $0xFFFFFFFF  }
0x4e: {  	_ =	task.clear_ibuf [dreg:s23], $0x2FFFF;
	_ =	strace $0x9FFFFFFF  }
0x4f: {  	(tm) =	ssettm $0x7FFFFFFF  }
tec
execute0_lowered:
.L_overlay_start_1:
0x0: {  	(tag) =	ssettag $0x1  }
0x1: {  	s0 =	srdreg.scid  }
0x2: {  	s1 =	sshll.u32 s0, $0x4  }
0x3: {  	s4 =	rddreg [dreg:$0x0];
	s0 =	stileid.u32;
	s1 =	sand.u32 $0x10, s1  }
0x4: {  	s2 =	rddreg [dreg:$0x1];
	s7 =	simm.s32 $0x1;
	s1 =	sor.u32 s0, s1  }
0x5: {  	s8 =	simm.s32 $0x2;
	s11 =	simm.s32 $0x0;
	s3 =	sshll.u32 s1, $0x7  }
0x6: {  	s10 =	simm.s32 $0x0;
	s4 =	sadd.s32 $0x501000, s4;
	s6 =	ssub.s32 $0x50000, s3  }
.Ltmp0:
0x7: {  	s1 =	rddreg [dreg:$0x2];
	s5 =	sand.u32 $0xF80, s6;
	(pc) =	sbr.rel .LBB1_1-.Ltmp0, $4  }
0x8: {  	_ =	strace $0x8000004D;
	s9 =	smov.u32 s3;
	p0 =	sne.s32 s5, $0x0  }
0x9: {  	s6 =	sshrl.u32 s6, $0xC;
	s5 =	simm.s32 $0x1;
	s7 =	simm.s32 @!p0 $0x0  }
0xa: {  	[sflag:s5] =	ssyncpa.u1 $0x0;
	p0 =	por $0x0, $0x0;
	s6 =	sadd.s32 s7, s6  }
0xb: {  	[sflag:s8] =	ssyncpa.u1 $0x0;
	s8 =	simm.s32 $0x280000;
	s7 =	sadd.s32 $0x1, s6  }
.LBB1_4:
0xc: {  	s14 =	sshll.u32 s11, $0x3  }
0xd: {  	s30 =	sand.u32 $0x7F, s11;
	s15 =	sand.u32 $0xFFFFFC00, s14  }
0xe: {  	s11 =	sor.u32 s30, s15  }
0xf: {  	s15 =	smulhi.u32 $0xCCCCCCCD, s11  }
0x10: {  	s14 =	smulhi.u32 $0xCCCCCCCD, s14  }
0x11: {  	s15 =	sshrl.u32 s15, $0x12  }
0x12: {  	s14 =	sshrl.u32 s14, $0x12;
	s15 =	smul.u32 $0x50000, s15  }
0x13: {  	s14 =	sand.u32 $0x1F, s14  }
0x14: {  	s14 =	smul.u32 $0xA000, s14;
	s11 =	ssub.s32 s11, s15  }
0x15: {  	s15 =	sand.u32 $0x7, s11  }
0x16: {  	s14 =	sadd.s32 s2, s14;
	s11 =	sshrl.u32 s11, $0x3;
	s15 =	sshll.u32 s15, $0x12  }
0x17: {  	[tilespmem:s13+$0x0 ss:$0x81] =	vst.msk $0xffff, v0;
	s11 =	sadd.s32 s11, s14;
	s31 =	sor.u32 $0x400, s15  }
0x18: {  	[hbm4b:s11+s31] =	stream.strided.scatter [tilespmem:s12], [sflag:$0x2], $0x1000, s8, s31, $0x20;
	[tilespmem:$0x4040] =	vst v63  }
.LBB1_5:
0x19: {  	s13 =	sadd.s32 $0x1000, s9  }
0x1a: {  	p2 =	sgt.s32 s13, $0x4FFFF  }
0x1b: {  	s13 =	smov.u32 @p2 s3;
	p2 =	sne.s32 s10, s7  }
.Ltmp1:
0x1c: {  	p1 =	slt.u32 s10, $0x2;
	(pc) =	sbr.rel @!p2 .LBB1_6-.Ltmp1, $4  }
0x1d: {  	s12 =	simm.s32 @!p1 $0x2  }
0x1e: {  	s14 =	sadd.s32 $0x1, s10;
	_ =	swait.ge @!p1 [sflag:s12], $0x1000  }
0x1f: {  	s11 =	smov.u32 s9;
	p0 =	por !p0, !p0;
	[sflag:s12] =	ssyncset.done @!p1 $0x0  }
0x20: {  	s10 =	smov.u32 s14;
	s9 =	smov.u32 s13;
	[sflag:s12] =	ssyncadd.s32 @!p1 $0xFFFFF000  }
.LBB1_1:
0x21: {  	p1 =	sge.u32 s10, s6  }
0x22: {  	s12 =	sand.u32 @!p1 $0x1FFFFFF, s9  }
0x23: {  	s13 =	smulhi.u32 @!p1 $0xCCCCCD, s12;
	_ =	sdelay $0x1  }
0x24: {  	s13 =	sshrl.u32 @!p1 s13, $0xA  }
0x25: {  	s13 =	smul.u32 @!p1 $0x50000, s13;
	_ =	sdelay $0x1  }
0x26: {  	s31 =	sadd.s32 $0xFFFFFFFF, s10;
	s14 =	sxor.u32 @!p1 $0xFFFFFFFF, s10;
	s12 =	ssub.s32 @!p1 s12, s13  }
0x27: {  	s15 =	simm.s32 @!p1 $0x80;
	s14 =	sshll.u32 @!p1 s14, $0xC;
	s12 =	sshll.u32 @!p1 s12, $0x4  }
0x28: {  	s13 =	sand.u32 @!p1 $0x1000, s14;
	s14 =	simm.s32 @!p1 $0x20;
	s12 =	sadd.s32 @!p1 s4, s12  }
0x29: {  	[tilespmem:s13], [sflag:$0x1] =	stream.strided.gather @!p1 [hbm4b:s12+s14], $0x1000, s15, s14, $0x38;
	[tilespmem:$0x4040] =	vst v63  }
0x2a: {  	p1 =	sge.u32 s31, s6  }
.Ltmp2:
0x2b: {  	_ = 	snop;
	(pc) =	sbr.rel @p1 .LBB1_5-.Ltmp2, $1  }
0x2c: {  	_ =	sdelay $0x3  }
0x2d: {  	s12 =	simm.s32 $0x1  }
0x2e: {  	_ =	swait.ge [sflag:s5], $0x1000;
	s12 =	simm.s32 @!p0 $0x0  }
0x2f: {  	[sflag:s5] =	ssyncset.done $0x0;
	s13 =	sshll.u32 s12, $0xC  }
0x30: {  	[sflag:s5] =	ssyncadd.s32 $0xFFFFF000;
	s16 =	sor.u32 $0x10, s13  }
0x31: {  	s12 =	smul.u32 $0x4080, s12;
	v1 =	vld [tilespmem:s16+$0x0]  }
0x32: {  	s30 =	sand.u32 $0x1, s10;
	v0 =	vld [tilespmem:s16+$0xFFFFFFF0]  }
0x33: {  	s13 =	smul.u32 $0x4080, s30;
	s12 =	sshrl.u32 s12, $0x2  }
0x34: {  	s14 =	sor.u32 $0x2000, s12  }
0x35: {  	s31 =	sshrl.u32 s13, $0x2;
	s13 =	sadd.s32 $0x0, s14  }
0x36: {  	s15 =	simm.s32 $0x4;
	s16 =	sadd.s32 $0x20, s16;
	s12 =	sor.u32 $0x2000, s31;
	[tilespmem:s13+$0x810 ss:$0x81] =	vst.msk $0xffff, v1  }
.LBB1_3:
0x37: {  	v1 =	vld [tilespmem:s16+$0x0];
	p1 =	sne.s32 s15, $0x1FC;
	[tilespmem:s13+$0x0 ss:$0x81] =	vst.msk $0xffff, v0;
	s13 =	smov.u32 s15;
	s15 =	sadd.s32 $0x4, s15  }
.Ltmp3:
0x38: {  	v0 =	vld [tilespmem:s16+$0xFFFFFFF0];
	(pc) =	sbr.rel @p1 .LBB1_3-.Ltmp3, $4  }
0x39: {  	_ = 	snop  }
0x3a: {  	s13 =	sshra.s32 s13, $0x2  }
0x3b: {  	s13 =	sadd.s32 s13, s14  }
0x3c: {  	s16 =	sadd.s32 $0x20, s16;
	[tilespmem:s13+$0x810 ss:$0x81] =	vst.msk $0xffff, v1  }
.Ltmp4:
0x3d: {  	_ = 	snop;
	(pc) =	sbr.rel .LBB1_4-.Ltmp4, $1  }
0x3e: {  	_ =	sdelay $0x3  }
.LBB1_6:
0x3f: {  	_ =	sfence.sel $0x180000  }
0x40: {  	s2 =	simm.s32 $0x1;
	[bflag:$0x0] =	sbarrier.arrive $0xFFFF  }
0x41: {  	s31 =	simm.s32 $0x2;
	[sflag:s2] =	ssyncpa.u1 $0x1  }
0x42: {  	[sflag:s31] =	ssyncpa.u1 $0x1  }
0x43: {  	p0 =	sne.s32 s0, $0x0;
	_ =	strace $0x9000004D  }
0x44: {  	s0 =	sadd.s32 @!p0 $0x100000, s1;
	[bflag:$0x2] =	sbarrier.arrive $0xFFFF  }
0x45: {  	[sflag:s0] =	ssyncadd.tile.s32 @!p0 $0x1;
	_ =	shalt  }
.Lfunc_end1:
_tile_overlayer_lowered:
.L_overlay_start_2:
0x46: {  	(tag) =	ssettag $0x2  }
0x47: {  	s0 =	rddreg [dreg:$0x0];
	s2 =	stileid.u32  }
0x48: {  	s1 =	rddreg [dreg:$0x1];
	p0 =	sne.s32 s2, $0x0  }
0x49: {  	s3 =	rddreg [dreg:$0x2];
	[bflag:$0x3] =	sbarrier.arrive $0xFFFF;
	s2 =	simm.s32 @!p0 $0x1C01  }
0x4a: {  	[timem:s3], [sflag:s2] =	dma.local @!p0 [hbm:s0], s1  }
0x4b: {  	s0 =	simm.s32 @!p0 $0x1  }
0x4c: {  	_ =	swait.ge @!p0 [sflag:s0], s1  }
0x4d: {  	s1 =	ssub.s32 @!p0 $0x0, s1;
	[sflag:s0] =	ssyncset.done @!p0 $0x0  }
0x4e: {  	[sflag:s0] =	ssyncadd.s32 @!p0 s1  }
0x4f: {  	[bflag:$0x3] =	sbarrier.arrive $0xFFFF  }
0x50: {  	_ =	shalt  }

</sc_bundles>
